<compile_context>
chip_gen: v7x
topology: tpu7x:2x2x1
jax: 0.10.2.dev20260603
libtpu: 0.0.44.dev20260713+nightly
codegen_flags: <defaults>
</compile_context>

<pallas_src>
import jax
import jax.numpy as jnp
from jax import lax
from jax.experimental import pallas as pl
from jax.experimental.pallas import tpu as pltpu

RANK = 64
BLK = 512
NP_PAD = 1024


def _issue(tab_ref, idx_ref, base, buf, slot, sem):
    def one(j, _):
        idx = idx_ref[base + j]
        pltpu.make_async_copy(
            tab_ref.at[pl.ds(lax.shift_right_logical(idx, 1), 1)],
            buf.at[slot, pl.ds(j, 1)],
            sem.at[slot],
        ).start()
        return 0

    lax.fori_loop(0, BLK, one, 0, unroll=8)


def _wait(buf, slot, sem):
    pltpu.make_async_copy(buf.at[slot], buf.at[slot], sem.at[slot]).wait()


def _half(pair, idx3_ref):
    odd = (idx3_ref[0] & 1) == 1
    return jnp.where(odd, pair[:, RANK:], pair[:, :RANK]).astype(jnp.bfloat16)


def _body(si_ref, oi_ref, tab_ref, si3_ref, oi3_ref, p_ref, pt_ref,
          sm_ref, tm_ref, out_ref, sbuf, obuf, sem_s, sem_o):
    i = pl.program_id(0)
    n = pl.num_programs(0)
    slot = lax.rem(i, 2)

    @pl.when(i == 0)
    def _prologue():
        _issue(tab_ref, si_ref, 0, sbuf, 0, sem_s)
        _issue(tab_ref, oi_ref, 0, obuf, 0, sem_o)

    @pl.when(i + 1 < n)
    def _prefetch_next():
        nxt = lax.rem(i + 1, 2)
        _issue(tab_ref, si_ref, (i + 1) * BLK, sbuf, nxt, sem_s)
        _issue(tab_ref, oi_ref, (i + 1) * BLK, obuf, nxt, sem_o)

    _wait(sbuf, slot, sem_s)
    _wait(obuf, slot, sem_o)

    s = _half(sbuf[slot], si3_ref)
    o = _half(obuf[slot], oi3_ref)
    s_rep = lax.dot_general(s, sm_ref[...], (((1,), (0,)), ((), ())),
                            preferred_element_type=jnp.float32)
    o_tile = lax.dot_general(o, tm_ref[...], (((1,), (0,)), ((), ())),
                             preferred_element_type=jnp.float32)
    x = (s_rep * o_tile).astype(jnp.bfloat16)
    scores = lax.dot_general(x, pt_ref[...], (((1,), (0,)), ((), ())),
                             preferred_element_type=jnp.float32)
    pidx = p_ref[0]
    sel = pidx == lax.broadcasted_iota(jnp.int32, (BLK, NP_PAD), 1)
    spo = jnp.sum(jnp.where(sel, scores, 0.0), axis=1, keepdims=True)
    out_ref[...] = jax.nn.sigmoid(spo)


def kernel(s_input, p_input, o_input, entity_table, predicate_table):
    b = s_input.shape[0]
    ne = entity_table.shape[0]
    np_real = predicate_table.shape[0]
    s_idx = s_input.reshape(b).astype(jnp.int32)
    o_idx = o_input.reshape(b).astype(jnp.int32)
    si3 = s_input.reshape(b // BLK, BLK, 1).astype(jnp.int32)
    oi3 = o_input.reshape(b // BLK, BLK, 1).astype(jnp.int32)
    p3 = p_input.reshape(b // BLK, BLK, 1).astype(jnp.int32)

    tab2 = jnp.concatenate(
        [entity_table[0::2, :], entity_table[1::2, :]], axis=1)

    ptt = predicate_table.reshape(np_real, RANK * RANK).astype(jnp.bfloat16)
    ptt = jnp.pad(ptt, ((0, NP_PAD - np_real), (0, 0))).T

    k = jnp.arange(RANK * RANK, dtype=jnp.int32)
    ar = jnp.arange(RANK, dtype=jnp.int32)
    sm = (ar[:, None] == k[None, :] // RANK).astype(jnp.bfloat16)
    tm = (ar[:, None] == k[None, :] % RANK).astype(jnp.bfloat16)

    grid_spec = pltpu.PrefetchScalarGridSpec(
        num_scalar_prefetch=2,
        grid=(b // BLK,),
        in_specs=[
            pl.BlockSpec(memory_space=pl.ANY),
            pl.BlockSpec((1, BLK, 1), lambda i, si, oi: (i, 0, 0)),
            pl.BlockSpec((1, BLK, 1), lambda i, si, oi: (i, 0, 0)),
            pl.BlockSpec((1, BLK, 1), lambda i, si, oi: (i, 0, 0)),
            pl.BlockSpec((RANK * RANK, NP_PAD), lambda i, si, oi: (0, 0)),
            pl.BlockSpec((RANK, RANK * RANK), lambda i, si, oi: (0, 0)),
            pl.BlockSpec((RANK, RANK * RANK), lambda i, si, oi: (0, 0)),
        ],
        out_specs=pl.BlockSpec((BLK, 1), lambda i, si, oi: (i, 0)),
        scratch_shapes=[
            pltpu.VMEM((2, BLK, 2 * RANK), jnp.float32),
            pltpu.VMEM((2, BLK, 2 * RANK), jnp.float32),
            pltpu.SemaphoreType.DMA((2,)),
            pltpu.SemaphoreType.DMA((2,)),
        ],
    )
    out = pl.pallas_call(
        _body,
        grid_spec=grid_spec,
        out_shape=jax.ShapeDtypeStruct((b, 1), jnp.float32),
    )(s_idx, o_idx, tab2, si3, oi3, p3, ptt, sm, tm)
    return out

# --- scband reference (transcript-rebuilt; emitter-appended) ---
"""Pipeline reference for scband-rescal-78237124264603 (READ-ONLY COPY).

The authoritative reference and input builder live on the scoring server;
editing this copy changes nothing except your own understanding.
"""

import jax, jax.numpy as jnp
import numpy as np

B = 16384
NB_ENTITIES = 1000000
NB_RELATIONSHIPS = 1000
RANK = 64


def setup_inputs(seed: int = 0) -> dict:
    key = jax.random.key(seed)
    k0, k1, k2, k3, k4 = jax.random.split(key, 5)
    s_input = jax.random.randint(k0, (B, 1), 0, NB_ENTITIES)
    p_input = jax.random.randint(k1, (B, 1), 0, NB_RELATIONSHIPS)
    o_input = jax.random.randint(k2, (B, 1), 0, NB_ENTITIES)
    # Learned parameters
    entity_table = jax.random.normal(k3, (NB_ENTITIES, RANK), dtype=jnp.float32) * 0.05
    # RESCAL initializes predicate tensor as stacked identities; add small noise so it is non-degenerate
    R_init = jnp.broadcast_to(jnp.eye(RANK, dtype=jnp.float32)[None, :, :], (NB_RELATIONSHIPS, RANK, RANK))
    predicate_table = R_init + jax.random.normal(k4, (NB_RELATIONSHIPS, RANK, RANK), dtype=jnp.float32) * 0.01
    return {
        "s_input": s_input,
        "p_input": p_input,
        "o_input": o_input,
        "entity_table": entity_table,
        "predicate_table": predicate_table,
    }


def reference(s_input, p_input, o_input, entity_table, predicate_table):
    # Embedding lookups (gathers)
    s_emb = jnp.take(entity_table, s_input[:, 0], axis=0)          # [B, rank]
    p_emb = jnp.take(predicate_table, p_input[:, 0], axis=0)       # [B, rank, rank]
    o_emb = jnp.take(entity_table, o_input[:, 0], axis=0)          # [B, rank]
    # rescal_merge: sp = batch_dot(s, P, axes=1) -> sp[b, j] = sum_i s[b, i] * P[b, i, j]
    sp = jnp.einsum('bi,bij->bj', s_emb, p_emb)                    # [B, rank]
    # spo = batch_dot(sp, o, axes=1) -> [B, 1]
    spo = jnp.sum(sp * o_emb, axis=1, keepdims=True)               # [B, 1]
    return jax.nn.sigmoid(spo)

if __name__ == "__main__":
    import jax
    _d = setup_inputs()
    print(jax.jit(kernel)(*tuple(_d.values())))

</pallas_src>

<mosaic_0001>
module attributes {stable_mosaic.version = 14 : i64} {
  func.func @_body(%arg0: i32, %arg1: memref<16384xi32, #tpu.memory_space<smem>>, %arg2: memref<16384xi32, #tpu.memory_space<smem>>, %arg3: memref<500000x128xf32, #tpu.memory_space<any>>, %arg4: memref<1x512x1xi32, #tpu.memory_space<vmem>>, %arg5: memref<1x512x1xi32, #tpu.memory_space<vmem>>, %arg6: memref<1x512x1xi32, #tpu.memory_space<vmem>>, %arg7: memref<4096x1024xbf16, #tpu.memory_space<vmem>>, %arg8: memref<64x4096xbf16, #tpu.memory_space<vmem>>, %arg9: memref<64x4096xbf16, #tpu.memory_space<vmem>>, %arg10: memref<512x1xf32, #tpu.memory_space<vmem>>, %arg11: memref<2x512x128xf32, #tpu.memory_space<vmem>>, %arg12: memref<2x512x128xf32, #tpu.memory_space<vmem>>, %arg13: memref<2x!tpu.dma_semaphore, #tpu.memory_space<semaphore_mem>>, %arg14: memref<2x!tpu.dma_semaphore, #tpu.memory_space<semaphore_mem>>) attributes {dimension_semantics = [#tpu.dimension_semantics<arbitrary>], iteration_bounds = array<i64: 32>, scalar_prefetch = 2 : i64, scratch_operands = 4 : i64, tpu.core_type = #tpu.core_type<tc>, window_params = [{}, {transform_indices = @transform_1, window_bounds = array<i64: 1, 512, 1>}, {transform_indices = @transform_2, window_bounds = array<i64: 1, 512, 1>}, {transform_indices = @transform_3, window_bounds = array<i64: 1, 512, 1>}, {pipeline_mode = #tpu.pipeline_mode<synchronous>, transform_indices = @transform_4, window_bounds = array<i64: 4096, 1024>}, {pipeline_mode = #tpu.pipeline_mode<synchronous>, transform_indices = @transform_5, window_bounds = array<i64: 64, 4096>}, {pipeline_mode = #tpu.pipeline_mode<synchronous>, transform_indices = @transform_6, window_bounds = array<i64: 64, 4096>}, {transform_indices = @transform_7, window_bounds = array<i64: 512, 1>}]} {
    %rem3A = arith.constant 2 : i32
    %rem3A_0 = arith.remsi %arg0, %rem3A : i32
    %eq3A = arith.constant 0 : i32
    %eq3A_1 = arith.cmpi eq, %arg0, %eq3A : i32
    %convert_element_type3A = arith.extui %eq3A_1 : i1 to i32
    %cond3A = arith.constant 0 : i32
    %cond3A_2 = arith.cmpi ne, %convert_element_type3A, %cond3A : i32
    scf.if %cond3A_2 {
      %scan3A = arith.constant 0 : i32
      %scan3A_99 = arith.constant 512 : i32
      %scan3A_100 = arith.addi %scan3A, %scan3A_99 : i32
      %scan3A_101 = arith.constant 8 : i32
      scf.for %scan3A_108 = %scan3A to %scan3A_100 step %scan3A_101  : i32 {
        %add3A_109 = arith.constant 0 : i32
        %add3A_110 = arith.addi %add3A_109, %scan3A_108 : i32
        %get3A_111 = arith.index_cast %add3A_110 : i32 to index
        %get3A_112 = memref.load %arg1[%get3A_111] : memref<16384xi32, #tpu.memory_space<smem>>
        %shift_right_logical3A = arith.constant 1 : i32
        %shift_right_logical3A_113 = arith.shrui %get3A_112, %shift_right_logical3A : i32
        %dma_start3A = arith.constant 0 : i32
        %dma_start3A_114 = arith.constant 0 : i32
        %dma_start3A_115 = tpu.memref_slice %arg13[%dma_start3A_114] : memref<2x!tpu.dma_semaphore, #tpu.memory_space<semaphore_mem>> -> memref<1x!tpu.dma_semaphore, #tpu.memory_space<semaphore_mem>>
        %dma_start3A_116 = tpu.memref_squeeze %dma_start3A_115 : memref<1x!tpu.dma_semaphore, #tpu.memory_space<semaphore_mem>> -> memref<!tpu.dma_semaphore, #tpu.memory_space<semaphore_mem>>
        %dma_start3A_117 = arith.constant 0 : i32
        %dma_start3A_118 = tpu.memref_slice %arg11[%dma_start3A, %scan3A_108, %dma_start3A_117] : memref<2x512x128xf32, #tpu.memory_space<vmem>> -> memref<1x1x128xf32, #tpu.memory_space<vmem>>
        %dma_start3A_119 = tpu.memref_squeeze %dma_start3A_118 : memref<1x1x128xf32, #tpu.memory_space<vmem>> -> memref<1x128xf32, #tpu.memory_space<vmem>>
        %dma_start3A_120 = arith.constant 0 : i32
        %dma_start3A_121 = tpu.memref_slice %arg3[%shift_right_logical3A_113, %dma_start3A_120] : memref<500000x128xf32, #tpu.memory_space<any>> -> memref<1x128xf32, #tpu.memory_space<any>>
        tpu.enqueue_dma source(%dma_start3A_121 : memref<1x128xf32, #tpu.memory_space<any>>) target(%dma_start3A_119 : memref<1x128xf32, #tpu.memory_space<vmem>>) target_semaphore(%dma_start3A_116 : memref<!tpu.dma_semaphore, #tpu.memory_space<semaphore_mem>>)
        %scan3A_122 = arith.constant 1 : i32
        %scan3A_123 = arith.addi %scan3A_108, %scan3A_122 : i32
        %add3A_124 = arith.constant 0 : i32
        %add3A_125 = arith.addi %add3A_124, %scan3A_123 : i32
        %get3A_126 = arith.index_cast %add3A_125 : i32 to index
        %get3A_127 = memref.load %arg1[%get3A_126] : memref<16384xi32, #tpu.memory_space<smem>>
        %shift_right_logical3A_128 = arith.constant 1 : i32
        %shift_right_logical3A_129 = arith.shrui %get3A_127, %shift_right_logical3A_128 : i32
        %dma_start3A_130 = arith.constant 0 : i32
        %dma_start3A_131 = arith.constant 0 : i32
        %dma_start3A_132 = tpu.memref_slice %arg13[%dma_start3A_131] : memref<2x!tpu.dma_semaphore, #tpu.memory_space<semaphore_mem>> -> memref<1x!tpu.dma_semaphore, #tpu.memory_space<semaphore_mem>>
        %dma_start3A_133 = tpu.memref_squeeze %dma_start3A_132 : memref<1x!tpu.dma_semaphore, #tpu.memory_space<semaphore_mem>> -> memref<!tpu.dma_semaphore, #tpu.memory_space<semaphore_mem>>
        %dma_start3A_134 = arith.constant 0 : i32
        %dma_start3A_135 = tpu.memref_slice %arg11[%dma_start3A_130, %scan3A_123, %dma_start3A_134] : memref<2x512x128xf32, #tpu.memory_space<vmem>> -> memref<1x1x128xf32, #tpu.memory_space<vmem>>
        %dma_start3A_136 = tpu.memref_squeeze %dma_start3A_135 : memref<1x1x128xf32, #tpu.memory_space<vmem>> -> memref<1x128xf32, #tpu.memory_space<vmem>>
        %dma_start3A_137 = arith.constant 0 : i32
        %dma_start3A_138 = tpu.memref_slice %arg3[%shift_right_logical3A_129, %dma_start3A_137] : memref<500000x128xf32, #tpu.memory_space<any>> -> memref<1x128xf32, #tpu.memory_space<any>>
        tpu.enqueue_dma source(%dma_start3A_138 : memref<1x128xf32, #tpu.memory_space<any>>) target(%dma_start3A_136 : memref<1x128xf32, #tpu.memory_space<vmem>>) target_semaphore(%dma_start3A_133 : memref<!tpu.dma_semaphore, #tpu.memory_space<semaphore_mem>>)
        %scan3A_139 = arith.constant 2 : i32
        %scan3A_140 = arith.addi %scan3A_108, %scan3A_139 : i32
        %add3A_141 = arith.constant 0 : i32
        %add3A_142 = arith.addi %add3A_141, %scan3A_140 : i32
        %get3A_143 = arith.index_cast %add3A_142 : i32 to index
        %get3A_144 = memref.load %arg1[%get3A_143] : memref<16384xi32, #tpu.memory_space<smem>>
        %shift_right_logical3A_145 = arith.constant 1 : i32
        %shift_right_logical3A_146 = arith.shrui %get3A_144, %shift_right_logical3A_145 : i32
        %dma_start3A_147 = arith.constant 0 : i32
        %dma_start3A_148 = arith.constant 0 : i32
        %dma_start3A_149 = tpu.memref_slice %arg13[%dma_start3A_148] : memref<2x!tpu.dma_semaphore, #tpu.memory_space<semaphore_mem>> -> memref<1x!tpu.dma_semaphore, #tpu.memory_space<semaphore_mem>>
        %dma_start3A_150 = tpu.memref_squeeze %dma_start3A_149 : memref<1x!tpu.dma_semaphore, #tpu.memory_space<semaphore_mem>> -> memref<!tpu.dma_semaphore, #tpu.memory_space<semaphore_mem>>
        %dma_start3A_151 = arith.constant 0 : i32
        %dma_start3A_152 = tpu.memref_slice %arg11[%dma_start3A_147, %scan3A_140, %dma_start3A_151] : memref<2x512x128xf32, #tpu.memory_space<vmem>> -> memref<1x1x128xf32, #tpu.memory_space<vmem>>
        %dma_start3A_153 = tpu.memref_squeeze %dma_start3A_152 : memref<1x1x128xf32, #tpu.memory_space<vmem>> -> memref<1x128xf32, #tpu.memory_space<vmem>>
        %dma_start3A_154 = arith.constant 0 : i32
        %dma_start3A_155 = tpu.memref_slice %arg3[%shift_right_logical3A_146, %dma_start3A_154] : memref<500000x128xf32, #tpu.memory_space<any>> -> memref<1x128xf32, #tpu.memory_space<any>>
        tpu.enqueue_dma source(%dma_start3A_155 : memref<1x128xf32, #tpu.memory_space<any>>) target(%dma_start3A_153 : memref<1x128xf32, #tpu.memory_space<vmem>>) target_semaphore(%dma_start3A_150 : memref<!tpu.dma_semaphore, #tpu.memory_space<semaphore_mem>>)
        %scan3A_156 = arith.constant 3 : i32
        %scan3A_157 = arith.addi %scan3A_108, %scan3A_156 : i32
        %add3A_158 = arith.constant 0 : i32
        %add3A_159 = arith.addi %add3A_158, %scan3A_157 : i32
        %get3A_160 = arith.index_cast %add3A_159 : i32 to index
        %get3A_161 = memref.load %arg1[%get3A_160] : memref<16384xi32, #tpu.memory_space<smem>>
        %shift_right_logical3A_162 = arith.constant 1 : i32
        %shift_right_logical3A_163 = arith.shrui %get3A_161, %shift_right_logical3A_162 : i32
        %dma_start3A_164 = arith.constant 0 : i32
        %dma_start3A_165 = arith.constant 0 : i32
        %dma_start3A_166 = tpu.memref_slice %arg13[%dma_start3A_165] : memref<2x!tpu.dma_semaphore, #tpu.memory_space<semaphore_mem>> -> memref<1x!tpu.dma_semaphore, #tpu.memory_space<semaphore_mem>>
        %dma_start3A_167 = tpu.memref_squeeze %dma_start3A_166 : memref<1x!tpu.dma_semaphore, #tpu.memory_space<semaphore_mem>> -> memref<!tpu.dma_semaphore, #tpu.memory_space<semaphore_mem>>
        %dma_start3A_168 = arith.constant 0 : i32
        %dma_start3A_169 = tpu.memref_slice %arg11[%dma_start3A_164, %scan3A_157, %dma_start3A_168] : memref<2x512x128xf32, #tpu.memory_space<vmem>> -> memref<1x1x128xf32, #tpu.memory_space<vmem>>
        %dma_start3A_170 = tpu.memref_squeeze %dma_start3A_169 : memref<1x1x128xf32, #tpu.memory_space<vmem>> -> memref<1x128xf32, #tpu.memory_space<vmem>>
        %dma_start3A_171 = arith.constant 0 : i32
        %dma_start3A_172 = tpu.memref_slice %arg3[%shift_right_logical3A_163, %dma_start3A_171] : memref<500000x128xf32, #tpu.memory_space<any>> -> memref<1x128xf32, #tpu.memory_space<any>>
        tpu.enqueue_dma source(%dma_start3A_172 : memref<1x128xf32, #tpu.memory_space<any>>) target(%dma_start3A_170 : memref<1x128xf32, #tpu.memory_space<vmem>>) target_semaphore(%dma_start3A_167 : memref<!tpu.dma_semaphore, #tpu.memory_space<semaphore_mem>>)
        %scan3A_173 = arith.constant 4 : i32
        %scan3A_174 = arith.addi %scan3A_108, %scan3A_173 : i32
        %add3A_175 = arith.constant 0 : i32
        %add3A_176 = arith.addi %add3A_175, %scan3A_174 : i32
        %get3A_177 = arith.index_cast %add3A_176 : i32 to index
        %get3A_178 = memref.load %arg1[%get3A_177] : memref<16384xi32, #tpu.memory_space<smem>>
        %shift_right_logical3A_179 = arith.constant 1 : i32
        %shift_right_logical3A_180 = arith.shrui %get3A_178, %shift_right_logical3A_179 : i32
        %dma_start3A_181 = arith.constant 0 : i32
        %dma_start3A_182 = arith.constant 0 : i32
        %dma_start3A_183 = tpu.memref_slice %arg13[%dma_start3A_182] : memref<2x!tpu.dma_semaphore, #tpu.memory_space<semaphore_mem>> -> memref<1x!tpu.dma_semaphore, #tpu.memory_space<semaphore_mem>>
        %dma_start3A_184 = tpu.memref_squeeze %dma_start3A_183 : memref<1x!tpu.dma_semaphore, #tpu.memory_space<semaphore_mem>> -> memref<!tpu.dma_semaphore, #tpu.memory_space<semaphore_mem>>
        %dma_start3A_185 = arith.constant 0 : i32
        %dma_start3A_186 = tpu.memref_slice %arg11[%dma_start3A_181, %scan3A_174, %dma_start3A_185] : memref<2x512x128xf32, #tpu.memory_space<vmem>> -> memref<1x1x128xf32, #tpu.memory_space<vmem>>
        %dma_start3A_187 = tpu.memref_squeeze %dma_start3A_186 : memref<1x1x128xf32, #tpu.memory_space<vmem>> -> memref<1x128xf32, #tpu.memory_space<vmem>>
        %dma_start3A_188 = arith.constant 0 : i32
        %dma_start3A_189 = tpu.memref_slice %arg3[%shift_right_logical3A_180, %dma_start3A_188] : memref<500000x128xf32, #tpu.memory_space<any>> -> memref<1x128xf32, #tpu.memory_space<any>>
        tpu.enqueue_dma source(%dma_start3A_189 : memref<1x128xf32, #tpu.memory_space<any>>) target(%dma_start3A_187 : memref<1x128xf32, #tpu.memory_space<vmem>>) target_semaphore(%dma_start3A_184 : memref<!tpu.dma_semaphore, #tpu.memory_space<semaphore_mem>>)
        %scan3A_190 = arith.constant 5 : i32
        %scan3A_191 = arith.addi %scan3A_108, %scan3A_190 : i32
        %add3A_192 = arith.constant 0 : i32
        %add3A_193 = arith.addi %add3A_192, %scan3A_191 : i32
        %get3A_194 = arith.index_cast %add3A_193 : i32 to index
        %get3A_195 = memref.load %arg1[%get3A_194] : memref<16384xi32, #tpu.memory_space<smem>>
        %shift_right_logical3A_196 = arith.constant 1 : i32
        %shift_right_logical3A_197 = arith.shrui %get3A_195, %shift_right_logical3A_196 : i32
        %dma_start3A_198 = arith.constant 0 : i32
        %dma_start3A_199 = arith.constant 0 : i32
        %dma_start3A_200 = tpu.memref_slice %arg13[%dma_start3A_199] : memref<2x!tpu.dma_semaphore, #tpu.memory_space<semaphore_mem>> -> memref<1x!tpu.dma_semaphore, #tpu.memory_space<semaphore_mem>>
        %dma_start3A_201 = tpu.memref_squeeze %dma_start3A_200 : memref<1x!tpu.dma_semaphore, #tpu.memory_space<semaphore_mem>> -> memref<!tpu.dma_semaphore, #tpu.memory_space<semaphore_mem>>
        %dma_start3A_202 = arith.constant 0 : i32
        %dma_start3A_203 = tpu.memref_slice %arg11[%dma_start3A_198, %scan3A_191, %dma_start3A_202] : memref<2x512x128xf32, #tpu.memory_space<vmem>> -> memref<1x1x128xf32, #tpu.memory_space<vmem>>
        %dma_start3A_204 = tpu.memref_squeeze %dma_start3A_203 : memref<1x1x128xf32, #tpu.memory_space<vmem>> -> memref<1x128xf32, #tpu.memory_space<vmem>>
        %dma_start3A_205 = arith.constant 0 : i32
        %dma_start3A_206 = tpu.memref_slice %arg3[%shift_right_logical3A_197, %dma_start3A_205] : memref<500000x128xf32, #tpu.memory_space<any>> -> memref<1x128xf32, #tpu.memory_space<any>>
        tpu.enqueue_dma source(%dma_start3A_206 : memref<1x128xf32, #tpu.memory_space<any>>) target(%dma_start3A_204 : memref<1x128xf32, #tpu.memory_space<vmem>>) target_semaphore(%dma_start3A_201 : memref<!tpu.dma_semaphore, #tpu.memory_space<semaphore_mem>>)
        %scan3A_207 = arith.constant 6 : i32
        %scan3A_208 = arith.addi %scan3A_108, %scan3A_207 : i32
        %add3A_209 = arith.constant 0 : i32
        %add3A_210 = arith.addi %add3A_209, %scan3A_208 : i32
        %get3A_211 = arith.index_cast %add3A_210 : i32 to index
        %get3A_212 = memref.load %arg1[%get3A_211] : memref<16384xi32, #tpu.memory_space<smem>>
        %shift_right_logical3A_213 = arith.constant 1 : i32
        %shift_right_logical3A_214 = arith.shrui %get3A_212, %shift_right_logical3A_213 : i32
        %dma_start3A_215 = arith.constant 0 : i32
        %dma_start3A_216 = arith.constant 0 : i32
        %dma_start3A_217 = tpu.memref_slice %arg13[%dma_start3A_216] : memref<2x!tpu.dma_semaphore, #tpu.memory_space<semaphore_mem>> -> memref<1x!tpu.dma_semaphore, #tpu.memory_space<semaphore_mem>>
        %dma_start3A_218 = tpu.memref_squeeze %dma_start3A_217 : memref<1x!tpu.dma_semaphore, #tpu.memory_space<semaphore_mem>> -> memref<!tpu.dma_semaphore, #tpu.memory_space<semaphore_mem>>
        %dma_start3A_219 = arith.constant 0 : i32
        %dma_start3A_220 = tpu.memref_slice %arg11[%dma_start3A_215, %scan3A_208, %dma_start3A_219] : memref<2x512x128xf32, #tpu.memory_space<vmem>> -> memref<1x1x128xf32, #tpu.memory_space<vmem>>
        %dma_start3A_221 = tpu.memref_squeeze %dma_start3A_220 : memref<1x1x128xf32, #tpu.memory_space<vmem>> -> memref<1x128xf32, #tpu.memory_space<vmem>>
        %dma_start3A_222 = arith.constant 0 : i32
        %dma_start3A_223 = tpu.memref_slice %arg3[%shift_right_logical3A_214, %dma_start3A_222] : memref<500000x128xf32, #tpu.memory_space<any>> -> memref<1x128xf32, #tpu.memory_space<any>>
        tpu.enqueue_dma source(%dma_start3A_223 : memref<1x128xf32, #tpu.memory_space<any>>) target(%dma_start3A_221 : memref<1x128xf32, #tpu.memory_space<vmem>>) target_semaphore(%dma_start3A_218 : memref<!tpu.dma_semaphore, #tpu.memory_space<semaphore_mem>>)
        %scan3A_224 = arith.constant 7 : i32
        %scan3A_225 = arith.addi %scan3A_108, %scan3A_224 : i32
        %add3A_226 = arith.constant 0 : i32
        %add3A_227 = arith.addi %add3A_226, %scan3A_225 : i32
        %get3A_228 = arith.index_cast %add3A_227 : i32 to index
        %get3A_229 = memref.load %arg1[%get3A_228] : memref<16384xi32, #tpu.memory_space<smem>>
        %shift_right_logical3A_230 = arith.constant 1 : i32
        %shift_right_logical3A_231 = arith.shrui %get3A_229, %shift_right_logical3A_230 : i32
        %dma_start3A_232 = arith.constant 0 : i32
        %dma_start3A_233 = arith.constant 0 : i32
        %dma_start3A_234 = tpu.memref_slice %arg13[%dma_start3A_233] : memref<2x!tpu.dma_semaphore, #tpu.memory_space<semaphore_mem>> -> memref<1x!tpu.dma_semaphore, #tpu.memory_space<semaphore_mem>>
        %dma_start3A_235 = tpu.memref_squeeze %dma_start3A_234 : memref<1x!tpu.dma_semaphore, #tpu.memory_space<semaphore_mem>> -> memref<!tpu.dma_semaphore, #tpu.memory_space<semaphore_mem>>
        %dma_start3A_236 = arith.constant 0 : i32
        %dma_start3A_237 = tpu.memref_slice %arg11[%dma_start3A_232, %scan3A_225, %dma_start3A_236] : memref<2x512x128xf32, #tpu.memory_space<vmem>> -> memref<1x1x128xf32, #tpu.memory_space<vmem>>
        %dma_start3A_238 = tpu.memref_squeeze %dma_start3A_237 : memref<1x1x128xf32, #tpu.memory_space<vmem>> -> memref<1x128xf32, #tpu.memory_space<vmem>>
        %dma_start3A_239 = arith.constant 0 : i32
        %dma_start3A_240 = tpu.memref_slice %arg3[%shift_right_logical3A_231, %dma_start3A_239] : memref<500000x128xf32, #tpu.memory_space<any>> -> memref<1x128xf32, #tpu.memory_space<any>>
        tpu.enqueue_dma source(%dma_start3A_240 : memref<1x128xf32, #tpu.memory_space<any>>) target(%dma_start3A_238 : memref<1x128xf32, #tpu.memory_space<vmem>>) target_semaphore(%dma_start3A_235 : memref<!tpu.dma_semaphore, #tpu.memory_space<semaphore_mem>>)
      }
      %scan3A_102 = arith.constant 512 : i32
      %scan3A_103 = arith.constant 0 : i32
      %scan3A_104 = arith.constant 512 : i32
      %scan3A_105 = arith.addi %scan3A_103, %scan3A_104 : i32
      %scan3A_106 = arith.constant 8 : i32
      scf.for %scan3A_108 = %scan3A_103 to %scan3A_105 step %scan3A_106  : i32 {
        %add3A_109 = arith.constant 0 : i32
        %add3A_110 = arith.addi %add3A_109, %scan3A_108 : i32
        %get3A_111 = arith.index_cast %add3A_110 : i32 to index
        %get3A_112 = memref.load %arg2[%get3A_111] : memref<16384xi32, #tpu.memory_space<smem>>
        %shift_right_logical3A = arith.constant 1 : i32
        %shift_right_logical3A_113 = arith.shrui %get3A_112, %shift_right_logical3A : i32
        %dma_start3A = arith.constant 0 : i32
        %dma_start3A_114 = arith.constant 0 : i32
        %dma_start3A_115 = tpu.memref_slice %arg14[%dma_start3A_114] : memref<2x!tpu.dma_semaphore, #tpu.memory_space<semaphore_mem>> -> memref<1x!tpu.dma_semaphore, #tpu.memory_space<semaphore_mem>>
        %dma_start3A_116 = tpu.memref_squeeze %dma_start3A_115 : memref<1x!tpu.dma_semaphore, #tpu.memory_space<semaphore_mem>> -> memref<!tpu.dma_semaphore, #tpu.memory_space<semaphore_mem>>
        %dma_start3A_117 = arith.constant 0 : i32
        %dma_start3A_118 = tpu.memref_slice %arg12[%dma_start3A, %scan3A_108, %dma_start3A_117] : memref<2x512x128xf32, #tpu.memory_space<vmem>> -> memref<1x1x128xf32, #tpu.memory_space<vmem>>
        %dma_start3A_119 = tpu.memref_squeeze %dma_start3A_118 : memref<1x1x128xf32, #tpu.memory_space<vmem>> -> memref<1x128xf32, #tpu.memory_space<vmem>>
        %dma_start3A_120 = arith.constant 0 : i32
        %dma_start3A_121 = tpu.memref_slice %arg3[%shift_right_logical3A_113, %dma_start3A_120] : memref<500000x128xf32, #tpu.memory_space<any>> -> memref<1x128xf32, #tpu.memory_space<any>>
        tpu.enqueue_dma source(%dma_start3A_121 : memref<1x128xf32, #tpu.memory_space<any>>) target(%dma_start3A_119 : memref<1x128xf32, #tpu.memory_space<vmem>>) target_semaphore(%dma_start3A_116 : memref<!tpu.dma_semaphore, #tpu.memory_space<semaphore_mem>>)
        %scan3A_122 = arith.constant 1 : i32
        %scan3A_123 = arith.addi %scan3A_108, %scan3A_122 : i32
        %add3A_124 = arith.constant 0 : i32
        %add3A_125 = arith.addi %add3A_124, %scan3A_123 : i32
        %get3A_126 = arith.index_cast %add3A_125 : i32 to index
        %get3A_127 = memref.load %arg2[%get3A_126] : memref<16384xi32, #tpu.memory_space<smem>>
        %shift_right_logical3A_128 = arith.constant 1 : i32
        %shift_right_logical3A_129 = arith.shrui %get3A_127, %shift_right_logical3A_128 : i32
        %dma_start3A_130 = arith.constant 0 : i32
        %dma_start3A_131 = arith.constant 0 : i32
        %dma_start3A_132 = tpu.memref_slice %arg14[%dma_start3A_131] : memref<2x!tpu.dma_semaphore, #tpu.memory_space<semaphore_mem>> -> memref<1x!tpu.dma_semaphore, #tpu.memory_space<semaphore_mem>>
        %dma_start3A_133 = tpu.memref_squeeze %dma_start3A_132 : memref<1x!tpu.dma_semaphore, #tpu.memory_space<semaphore_mem>> -> memref<!tpu.dma_semaphore, #tpu.memory_space<semaphore_mem>>
        %dma_start3A_134 = arith.constant 0 : i32
        %dma_start3A_135 = tpu.memref_slice %arg12[%dma_start3A_130, %scan3A_123, %dma_start3A_134] : memref<2x512x128xf32, #tpu.memory_space<vmem>> -> memref<1x1x128xf32, #tpu.memory_space<vmem>>
        %dma_start3A_136 = tpu.memref_squeeze %dma_start3A_135 : memref<1x1x128xf32, #tpu.memory_space<vmem>> -> memref<1x128xf32, #tpu.memory_space<vmem>>
        %dma_start3A_137 = arith.constant 0 : i32
        %dma_start3A_138 = tpu.memref_slice %arg3[%shift_right_logical3A_129, %dma_start3A_137] : memref<500000x128xf32, #tpu.memory_space<any>> -> memref<1x128xf32, #tpu.memory_space<any>>
        tpu.enqueue_dma source(%dma_start3A_138 : memref<1x128xf32, #tpu.memory_space<any>>) target(%dma_start3A_136 : memref<1x128xf32, #tpu.memory_space<vmem>>) target_semaphore(%dma_start3A_133 : memref<!tpu.dma_semaphore, #tpu.memory_space<semaphore_mem>>)
        %scan3A_139 = arith.constant 2 : i32
        %scan3A_140 = arith.addi %scan3A_108, %scan3A_139 : i32
        %add3A_141 = arith.constant 0 : i32
        %add3A_142 = arith.addi %add3A_141, %scan3A_140 : i32
        %get3A_143 = arith.index_cast %add3A_142 : i32 to index
        %get3A_144 = memref.load %arg2[%get3A_143] : memref<16384xi32, #tpu.memory_space<smem>>
        %shift_right_logical3A_145 = arith.constant 1 : i32
        %shift_right_logical3A_146 = arith.shrui %get3A_144, %shift_right_logical3A_145 : i32
        %dma_start3A_147 = arith.constant 0 : i32
        %dma_start3A_148 = arith.constant 0 : i32
        %dma_start3A_149 = tpu.memref_slice %arg14[%dma_start3A_148] : memref<2x!tpu.dma_semaphore, #tpu.memory_space<semaphore_mem>> -> memref<1x!tpu.dma_semaphore, #tpu.memory_space<semaphore_mem>>
        %dma_start3A_150 = tpu.memref_squeeze %dma_start3A_149 : memref<1x!tpu.dma_semaphore, #tpu.memory_space<semaphore_mem>> -> memref<!tpu.dma_semaphore, #tpu.memory_space<semaphore_mem>>
        %dma_start3A_151 = arith.constant 0 : i32
        %dma_start3A_152 = tpu.memref_slice %arg12[%dma_start3A_147, %scan3A_140, %dma_start3A_151] : memref<2x512x128xf32, #tpu.memory_space<vmem>> -> memref<1x1x128xf32, #tpu.memory_space<vmem>>
        %dma_start3A_153 = tpu.memref_squeeze %dma_start3A_152 : memref<1x1x128xf32, #tpu.memory_space<vmem>> -> memref<1x128xf32, #tpu.memory_space<vmem>>
        %dma_start3A_154 = arith.constant 0 : i32
        %dma_start3A_155 = tpu.memref_slice %arg3[%shift_right_logical3A_146, %dma_start3A_154] : memref<500000x128xf32, #tpu.memory_space<any>> -> memref<1x128xf32, #tpu.memory_space<any>>
        tpu.enqueue_dma source(%dma_start3A_155 : memref<1x128xf32, #tpu.memory_space<any>>) target(%dma_start3A_153 : memref<1x128xf32, #tpu.memory_space<vmem>>) target_semaphore(%dma_start3A_150 : memref<!tpu.dma_semaphore, #tpu.memory_space<semaphore_mem>>)
        %scan3A_156 = arith.constant 3 : i32
        %scan3A_157 = arith.addi %scan3A_108, %scan3A_156 : i32
        %add3A_158 = arith.constant 0 : i32
        %add3A_159 = arith.addi %add3A_158, %scan3A_157 : i32
        %get3A_160 = arith.index_cast %add3A_159 : i32 to index
        %get3A_161 = memref.load %arg2[%get3A_160] : memref<16384xi32, #tpu.memory_space<smem>>
        %shift_right_logical3A_162 = arith.constant 1 : i32
        %shift_right_logical3A_163 = arith.shrui %get3A_161, %shift_right_logical3A_162 : i32
        %dma_start3A_164 = arith.constant 0 : i32
        %dma_start3A_165 = arith.constant 0 : i32
        %dma_start3A_166 = tpu.memref_slice %arg14[%dma_start3A_165] : memref<2x!tpu.dma_semaphore, #tpu.memory_space<semaphore_mem>> -> memref<1x!tpu.dma_semaphore, #tpu.memory_space<semaphore_mem>>
        %dma_start3A_167 = tpu.memref_squeeze %dma_start3A_166 : memref<1x!tpu.dma_semaphore, #tpu.memory_space<semaphore_mem>> -> memref<!tpu.dma_semaphore, #tpu.memory_space<semaphore_mem>>
        %dma_start3A_168 = arith.constant 0 : i32
        %dma_start3A_169 = tpu.memref_slice %arg12[%dma_start3A_164, %scan3A_157, %dma_start3A_168] : memref<2x512x128xf32, #tpu.memory_space<vmem>> -> memref<1x1x128xf32, #tpu.memory_space<vmem>>
        %dma_start3A_170 = tpu.memref_squeeze %dma_start3A_169 : memref<1x1x128xf32, #tpu.memory_space<vmem>> -> memref<1x128xf32, #tpu.memory_space<vmem>>
        %dma_start3A_171 = arith.constant 0 : i32
        %dma_start3A_172 = tpu.memref_slice %arg3[%shift_right_logical3A_163, %dma_start3A_171] : memref<500000x128xf32, #tpu.memory_space<any>> -> memref<1x128xf32, #tpu.memory_space<any>>
        tpu.enqueue_dma source(%dma_start3A_172 : memref<1x128xf32, #tpu.memory_space<any>>) target(%dma_start3A_170 : memref<1x128xf32, #tpu.memory_space<vmem>>) target_semaphore(%dma_start3A_167 : memref<!tpu.dma_semaphore, #tpu.memory_space<semaphore_mem>>)
        %scan3A_173 = arith.constant 4 : i32
        %scan3A_174 = arith.addi %scan3A_108, %scan3A_173 : i32
        %add3A_175 = arith.constant 0 : i32
        %add3A_176 = arith.addi %add3A_175, %scan3A_174 : i32
        %get3A_177 = arith.index_cast %add3A_176 : i32 to index
        %get3A_178 = memref.load %arg2[%get3A_177] : memref<16384xi32, #tpu.memory_space<smem>>
        %shift_right_logical3A_179 = arith.constant 1 : i32
        %shift_right_logical3A_180 = arith.shrui %get3A_178, %shift_right_logical3A_179 : i32
        %dma_start3A_181 = arith.constant 0 : i32
        %dma_start3A_182 = arith.constant 0 : i32
        %dma_start3A_183 = tpu.memref_slice %arg14[%dma_start3A_182] : memref<2x!tpu.dma_semaphore, #tpu.memory_space<semaphore_mem>> -> memref<1x!tpu.dma_semaphore, #tpu.memory_space<semaphore_mem>>
        %dma_start3A_184 = tpu.memref_squeeze %dma_start3A_183 : memref<1x!tpu.dma_semaphore, #tpu.memory_space<semaphore_mem>> -> memref<!tpu.dma_semaphore, #tpu.memory_space<semaphore_mem>>
        %dma_start3A_185 = arith.constant 0 : i32
        %dma_start3A_186 = tpu.memref_slice %arg12[%dma_start3A_181, %scan3A_174, %dma_start3A_185] : memref<2x512x128xf32, #tpu.memory_space<vmem>> -> memref<1x1x128xf32, #tpu.memory_space<vmem>>
        %dma_start3A_187 = tpu.memref_squeeze %dma_start3A_186 : memref<1x1x128xf32, #tpu.memory_space<vmem>> -> memref<1x128xf32, #tpu.memory_space<vmem>>
        %dma_start3A_188 = arith.constant 0 : i32
        %dma_start3A_189 = tpu.memref_slice %arg3[%shift_right_logical3A_180, %dma_start3A_188] : memref<500000x128xf32, #tpu.memory_space<any>> -> memref<1x128xf32, #tpu.memory_space<any>>
        tpu.enqueue_dma source(%dma_start3A_189 : memref<1x128xf32, #tpu.memory_space<any>>) target(%dma_start3A_187 : memref<1x128xf32, #tpu.memory_space<vmem>>) target_semaphore(%dma_start3A_184 : memref<!tpu.dma_semaphore, #tpu.memory_space<semaphore_mem>>)
        %scan3A_190 = arith.constant 5 : i32
        %scan3A_191 = arith.addi %scan3A_108, %scan3A_190 : i32
        %add3A_192 = arith.constant 0 : i32
        %add3A_193 = arith.addi %add3A_192, %scan3A_191 : i32
        %get3A_194 = arith.index_cast %add3A_193 : i32 to index
        %get3A_195 = memref.load %arg2[%get3A_194] : memref<16384xi32, #tpu.memory_space<smem>>
        %shift_right_logical3A_196 = arith.constant 1 : i32
        %shift_right_logical3A_197 = arith.shrui %get3A_195, %shift_right_logical3A_196 : i32
        %dma_start3A_198 = arith.constant 0 : i32
        %dma_start3A_199 = arith.constant 0 : i32
        %dma_start3A_200 = tpu.memref_slice %arg14[%dma_start3A_199] : memref<2x!tpu.dma_semaphore, #tpu.memory_space<semaphore_mem>> -> memref<1x!tpu.dma_semaphore, #tpu.memory_space<semaphore_mem>>
        %dma_start3A_201 = tpu.memref_squeeze %dma_start3A_200 : memref<1x!tpu.dma_semaphore, #tpu.memory_space<semaphore_mem>> -> memref<!tpu.dma_semaphore, #tpu.memory_space<semaphore_mem>>
        %dma_start3A_202 = arith.constant 0 : i32
        %dma_start3A_203 = tpu.memref_slice %arg12[%dma_start3A_198, %scan3A_191, %dma_start3A_202] : memref<2x512x128xf32, #tpu.memory_space<vmem>> -> memref<1x1x128xf32, #tpu.memory_space<vmem>>
        %dma_start3A_204 = tpu.memref_squeeze %dma_start3A_203 : memref<1x1x128xf32, #tpu.memory_space<vmem>> -> memref<1x128xf32, #tpu.memory_space<vmem>>
        %dma_start3A_205 = arith.constant 0 : i32
        %dma_start3A_206 = tpu.memref_slice %arg3[%shift_right_logical3A_197, %dma_start3A_205] : memref<500000x128xf32, #tpu.memory_space<any>> -> memref<1x128xf32, #tpu.memory_space<any>>
        tpu.enqueue_dma source(%dma_start3A_206 : memref<1x128xf32, #tpu.memory_space<any>>) target(%dma_start3A_204 : memref<1x128xf32, #tpu.memory_space<vmem>>) target_semaphore(%dma_start3A_201 : memref<!tpu.dma_semaphore, #tpu.memory_space<semaphore_mem>>)
        %scan3A_207 = arith.constant 6 : i32
        %scan3A_208 = arith.addi %scan3A_108, %scan3A_207 : i32
        %add3A_209 = arith.constant 0 : i32
        %add3A_210 = arith.addi %add3A_209, %scan3A_208 : i32
        %get3A_211 = arith.index_cast %add3A_210 : i32 to index
        %get3A_212 = memref.load %arg2[%get3A_211] : memref<16384xi32, #tpu.memory_space<smem>>
        %shift_right_logical3A_213 = arith.constant 1 : i32
        %shift_right_logical3A_214 = arith.shrui %get3A_212, %shift_right_logical3A_213 : i32
        %dma_start3A_215 = arith.constant 0 : i32
        %dma_start3A_216 = arith.constant 0 : i32
        %dma_start3A_217 = tpu.memref_slice %arg14[%dma_start3A_216] : memref<2x!tpu.dma_semaphore, #tpu.memory_space<semaphore_mem>> -> memref<1x!tpu.dma_semaphore, #tpu.memory_space<semaphore_mem>>
        %dma_start3A_218 = tpu.memref_squeeze %dma_start3A_217 : memref<1x!tpu.dma_semaphore, #tpu.memory_space<semaphore_mem>> -> memref<!tpu.dma_semaphore, #tpu.memory_space<semaphore_mem>>
        %dma_start3A_219 = arith.constant 0 : i32
        %dma_start3A_220 = tpu.memref_slice %arg12[%dma_start3A_215, %scan3A_208, %dma_start3A_219] : memref<2x512x128xf32, #tpu.memory_space<vmem>> -> memref<1x1x128xf32, #tpu.memory_space<vmem>>
        %dma_start3A_221 = tpu.memref_squeeze %dma_start3A_220 : memref<1x1x128xf32, #tpu.memory_space<vmem>> -> memref<1x128xf32, #tpu.memory_space<vmem>>
        %dma_start3A_222 = arith.constant 0 : i32
        %dma_start3A_223 = tpu.memref_slice %arg3[%shift_right_logical3A_214, %dma_start3A_222] : memref<500000x128xf32, #tpu.memory_space<any>> -> memref<1x128xf32, #tpu.memory_space<any>>
        tpu.enqueue_dma source(%dma_start3A_223 : memref<1x128xf32, #tpu.memory_space<any>>) target(%dma_start3A_221 : memref<1x128xf32, #tpu.memory_space<vmem>>) target_semaphore(%dma_start3A_218 : memref<!tpu.dma_semaphore, #tpu.memory_space<semaphore_mem>>)
        %scan3A_224 = arith.constant 7 : i32
        %scan3A_225 = arith.addi %scan3A_108, %scan3A_224 : i32
        %add3A_226 = arith.constant 0 : i32
        %add3A_227 = arith.addi %add3A_226, %scan3A_225 : i32
        %get3A_228 = arith.index_cast %add3A_227 : i32 to index
        %get3A_229 = memref.load %arg2[%get3A_228] : memref<16384xi32, #tpu.memory_space<smem>>
        %shift_right_logical3A_230 = arith.constant 1 : i32
        %shift_right_logical3A_231 = arith.shrui %get3A_229, %shift_right_logical3A_230 : i32
        %dma_start3A_232 = arith.constant 0 : i32
        %dma_start3A_233 = arith.constant 0 : i32
        %dma_start3A_234 = tpu.memref_slice %arg14[%dma_start3A_233] : memref<2x!tpu.dma_semaphore, #tpu.memory_space<semaphore_mem>> -> memref<1x!tpu.dma_semaphore, #tpu.memory_space<semaphore_mem>>
        %dma_start3A_235 = tpu.memref_squeeze %dma_start3A_234 : memref<1x!tpu.dma_semaphore, #tpu.memory_space<semaphore_mem>> -> memref<!tpu.dma_semaphore, #tpu.memory_space<semaphore_mem>>
        %dma_start3A_236 = arith.constant 0 : i32
        %dma_start3A_237 = tpu.memref_slice %arg12[%dma_start3A_232, %scan3A_225, %dma_start3A_236] : memref<2x512x128xf32, #tpu.memory_space<vmem>> -> memref<1x1x128xf32, #tpu.memory_space<vmem>>
        %dma_start3A_238 = tpu.memref_squeeze %dma_start3A_237 : memref<1x1x128xf32, #tpu.memory_space<vmem>> -> memref<1x128xf32, #tpu.memory_space<vmem>>
        %dma_start3A_239 = arith.constant 0 : i32
        %dma_start3A_240 = tpu.memref_slice %arg3[%shift_right_logical3A_231, %dma_start3A_239] : memref<500000x128xf32, #tpu.memory_space<any>> -> memref<1x128xf32, #tpu.memory_space<any>>
        tpu.enqueue_dma source(%dma_start3A_240 : memref<1x128xf32, #tpu.memory_space<any>>) target(%dma_start3A_238 : memref<1x128xf32, #tpu.memory_space<vmem>>) target_semaphore(%dma_start3A_235 : memref<!tpu.dma_semaphore, #tpu.memory_space<semaphore_mem>>)
      }
      %scan3A_107 = arith.constant 512 : i32
    } else {
    }
    %add3A = arith.constant 1 : i32
    %add3A_3 = arith.addi %arg0, %add3A : i32
    %lt3A = arith.constant 32 : i32
    %lt3A_4 = arith.cmpi slt, %add3A_3, %lt3A : i32
    %convert_element_type3A_5 = arith.extui %lt3A_4 : i1 to i32
    %cond3A_6 = arith.constant 0 : i32
    %cond3A_7 = arith.cmpi ne, %convert_element_type3A_5, %cond3A_6 : i32
    scf.if %cond3A_7 {
      %add3A_99 = arith.constant 1 : i32
      %add3A_100 = arith.addi %arg0, %add3A_99 : i32
      %rem3A_101 = arith.constant 2 : i32
      %rem3A_102 = arith.remsi %add3A_100, %rem3A_101 : i32
      %add3A_103 = arith.constant 1 : i32
      %add3A_104 = arith.addi %arg0, %add3A_103 : i32
      %mul3A_105 = arith.constant 512 : i32
      %mul3A_106 = arith.muli %add3A_104, %mul3A_105 : i32
      %scan3A = arith.constant 0 : i32
      %scan3A_107 = arith.constant 512 : i32
      %scan3A_108 = arith.addi %scan3A, %scan3A_107 : i32
      %scan3A_109 = arith.constant 8 : i32
      scf.for %scan3A_120 = %scan3A to %scan3A_108 step %scan3A_109  : i32 {
        %add3A_121 = arith.addi %mul3A_106, %scan3A_120 : i32
        %get3A_122 = arith.index_cast %add3A_121 : i32 to index
        %get3A_123 = memref.load %arg1[%get3A_122] : memref<16384xi32, #tpu.memory_space<smem>>
        %shift_right_logical3A = arith.constant 1 : i32
        %shift_right_logical3A_124 = arith.shrui %get3A_123, %shift_right_logical3A : i32
        %dma_start3A = tpu.memref_slice %arg13[%rem3A_102] : memref<2x!tpu.dma_semaphore, #tpu.memory_space<semaphore_mem>> -> memref<1x!tpu.dma_semaphore, #tpu.memory_space<semaphore_mem>>
        %dma_start3A_125 = tpu.memref_squeeze %dma_start3A : memref<1x!tpu.dma_semaphore, #tpu.memory_space<semaphore_mem>> -> memref<!tpu.dma_semaphore, #tpu.memory_space<semaphore_mem>>
        %dma_start3A_126 = arith.constant 0 : i32
        %dma_start3A_127 = tpu.memref_slice %arg11[%rem3A_102, %scan3A_120, %dma_start3A_126] : memref<2x512x128xf32, #tpu.memory_space<vmem>> -> memref<1x1x128xf32, #tpu.memory_space<vmem>>
        %dma_start3A_128 = tpu.memref_squeeze %dma_start3A_127 : memref<1x1x128xf32, #tpu.memory_space<vmem>> -> memref<1x128xf32, #tpu.memory_space<vmem>>
        %dma_start3A_129 = arith.constant 0 : i32
        %dma_start3A_130 = tpu.memref_slice %arg3[%shift_right_logical3A_124, %dma_start3A_129] : memref<500000x128xf32, #tpu.memory_space<any>> -> memref<1x128xf32, #tpu.memory_space<any>>
        tpu.enqueue_dma source(%dma_start3A_130 : memref<1x128xf32, #tpu.memory_space<any>>) target(%dma_start3A_128 : memref<1x128xf32, #tpu.memory_space<vmem>>) target_semaphore(%dma_start3A_125 : memref<!tpu.dma_semaphore, #tpu.memory_space<semaphore_mem>>)
        %scan3A_131 = arith.constant 1 : i32
        %scan3A_132 = arith.addi %scan3A_120, %scan3A_131 : i32
        %add3A_133 = arith.addi %mul3A_106, %scan3A_132 : i32
        %get3A_134 = arith.index_cast %add3A_133 : i32 to index
        %get3A_135 = memref.load %arg1[%get3A_134] : memref<16384xi32, #tpu.memory_space<smem>>
        %shift_right_logical3A_136 = arith.constant 1 : i32
        %shift_right_logical3A_137 = arith.shrui %get3A_135, %shift_right_logical3A_136 : i32
        %dma_start3A_138 = tpu.memref_slice %arg13[%rem3A_102] : memref<2x!tpu.dma_semaphore, #tpu.memory_space<semaphore_mem>> -> memref<1x!tpu.dma_semaphore, #tpu.memory_space<semaphore_mem>>
        %dma_start3A_139 = tpu.memref_squeeze %dma_start3A_138 : memref<1x!tpu.dma_semaphore, #tpu.memory_space<semaphore_mem>> -> memref<!tpu.dma_semaphore, #tpu.memory_space<semaphore_mem>>
        %dma_start3A_140 = arith.constant 0 : i32
        %dma_start3A_141 = tpu.memref_slice %arg11[%rem3A_102, %scan3A_132, %dma_start3A_140] : memref<2x512x128xf32, #tpu.memory_space<vmem>> -> memref<1x1x128xf32, #tpu.memory_space<vmem>>
        %dma_start3A_142 = tpu.memref_squeeze %dma_start3A_141 : memref<1x1x128xf32, #tpu.memory_space<vmem>> -> memref<1x128xf32, #tpu.memory_space<vmem>>
        %dma_start3A_143 = arith.constant 0 : i32
        %dma_start3A_144 = tpu.memref_slice %arg3[%shift_right_logical3A_137, %dma_start3A_143] : memref<500000x128xf32, #tpu.memory_space<any>> -> memref<1x128xf32, #tpu.memory_space<any>>
        tpu.enqueue_dma source(%dma_start3A_144 : memref<1x128xf32, #tpu.memory_space<any>>) target(%dma_start3A_142 : memref<1x128xf32, #tpu.memory_space<vmem>>) target_semaphore(%dma_start3A_139 : memref<!tpu.dma_semaphore, #tpu.memory_space<semaphore_mem>>)
        %scan3A_145 = arith.constant 2 : i32
        %scan3A_146 = arith.addi %scan3A_120, %scan3A_145 : i32
        %add3A_147 = arith.addi %mul3A_106, %scan3A_146 : i32
        %get3A_148 = arith.index_cast %add3A_147 : i32 to index
        %get3A_149 = memref.load %arg1[%get3A_148] : memref<16384xi32, #tpu.memory_space<smem>>
        %shift_right_logical3A_150 = arith.constant 1 : i32
        %shift_right_logical3A_151 = arith.shrui %get3A_149, %shift_right_logical3A_150 : i32
        %dma_start3A_152 = tpu.memref_slice %arg13[%rem3A_102] : memref<2x!tpu.dma_semaphore, #tpu.memory_space<semaphore_mem>> -> memref<1x!tpu.dma_semaphore, #tpu.memory_space<semaphore_mem>>
        %dma_start3A_153 = tpu.memref_squeeze %dma_start3A_152 : memref<1x!tpu.dma_semaphore, #tpu.memory_space<semaphore_mem>> -> memref<!tpu.dma_semaphore, #tpu.memory_space<semaphore_mem>>
        %dma_start3A_154 = arith.constant 0 : i32
        %dma_start3A_155 = tpu.memref_slice %arg11[%rem3A_102, %scan3A_146, %dma_start3A_154] : memref<2x512x128xf32, #tpu.memory_space<vmem>> -> memref<1x1x128xf32, #tpu.memory_space<vmem>>
        %dma_start3A_156 = tpu.memref_squeeze %dma_start3A_155 : memref<1x1x128xf32, #tpu.memory_space<vmem>> -> memref<1x128xf32, #tpu.memory_space<vmem>>
        %dma_start3A_157 = arith.constant 0 : i32
        %dma_start3A_158 = tpu.memref_slice %arg3[%shift_right_logical3A_151, %dma_start3A_157] : memref<500000x128xf32, #tpu.memory_space<any>> -> memref<1x128xf32, #tpu.memory_space<any>>
        tpu.enqueue_dma source(%dma_start3A_158 : memref<1x128xf32, #tpu.memory_space<any>>) target(%dma_start3A_156 : memref<1x128xf32, #tpu.memory_space<vmem>>) target_semaphore(%dma_start3A_153 : memref<!tpu.dma_semaphore, #tpu.memory_space<semaphore_mem>>)
        %scan3A_159 = arith.constant 3 : i32
        %scan3A_160 = arith.addi %scan3A_120, %scan3A_159 : i32
        %add3A_161 = arith.addi %mul3A_106, %scan3A_160 : i32
        %get3A_162 = arith.index_cast %add3A_161 : i32 to index
        %get3A_163 = memref.load %arg1[%get3A_162] : memref<16384xi32, #tpu.memory_space<smem>>
        %shift_right_logical3A_164 = arith.constant 1 : i32
        %shift_right_logical3A_165 = arith.shrui %get3A_163, %shift_right_logical3A_164 : i32
        %dma_start3A_166 = tpu.memref_slice %arg13[%rem3A_102] : memref<2x!tpu.dma_semaphore, #tpu.memory_space<semaphore_mem>> -> memref<1x!tpu.dma_semaphore, #tpu.memory_space<semaphore_mem>>
        %dma_start3A_167 = tpu.memref_squeeze %dma_start3A_166 : memref<1x!tpu.dma_semaphore, #tpu.memory_space<semaphore_mem>> -> memref<!tpu.dma_semaphore, #tpu.memory_space<semaphore_mem>>
        %dma_start3A_168 = arith.constant 0 : i32
        %dma_start3A_169 = tpu.memref_slice %arg11[%rem3A_102, %scan3A_160, %dma_start3A_168] : memref<2x512x128xf32, #tpu.memory_space<vmem>> -> memref<1x1x128xf32, #tpu.memory_space<vmem>>
        %dma_start3A_170 = tpu.memref_squeeze %dma_start3A_169 : memref<1x1x128xf32, #tpu.memory_space<vmem>> -> memref<1x128xf32, #tpu.memory_space<vmem>>
        %dma_start3A_171 = arith.constant 0 : i32
        %dma_start3A_172 = tpu.memref_slice %arg3[%shift_right_logical3A_165, %dma_start3A_171] : memref<500000x128xf32, #tpu.memory_space<any>> -> memref<1x128xf32, #tpu.memory_space<any>>
        tpu.enqueue_dma source(%dma_start3A_172 : memref<1x128xf32, #tpu.memory_space<any>>) target(%dma_start3A_170 : memref<1x128xf32, #tpu.memory_space<vmem>>) target_semaphore(%dma_start3A_167 : memref<!tpu.dma_semaphore, #tpu.memory_space<semaphore_mem>>)
        %scan3A_173 = arith.constant 4 : i32
        %scan3A_174 = arith.addi %scan3A_120, %scan3A_173 : i32
        %add3A_175 = arith.addi %mul3A_106, %scan3A_174 : i32
        %get3A_176 = arith.index_cast %add3A_175 : i32 to index
        %get3A_177 = memref.load %arg1[%get3A_176] : memref<16384xi32, #tpu.memory_space<smem>>
        %shift_right_logical3A_178 = arith.constant 1 : i32
        %shift_right_logical3A_179 = arith.shrui %get3A_177, %shift_right_logical3A_178 : i32
        %dma_start3A_180 = tpu.memref_slice %arg13[%rem3A_102] : memref<2x!tpu.dma_semaphore, #tpu.memory_space<semaphore_mem>> -> memref<1x!tpu.dma_semaphore, #tpu.memory_space<semaphore_mem>>
        %dma_start3A_181 = tpu.memref_squeeze %dma_start3A_180 : memref<1x!tpu.dma_semaphore, #tpu.memory_space<semaphore_mem>> -> memref<!tpu.dma_semaphore, #tpu.memory_space<semaphore_mem>>
        %dma_start3A_182 = arith.constant 0 : i32
        %dma_start3A_183 = tpu.memref_slice %arg11[%rem3A_102, %scan3A_174, %dma_start3A_182] : memref<2x512x128xf32, #tpu.memory_space<vmem>> -> memref<1x1x128xf32, #tpu.memory_space<vmem>>
        %dma_start3A_184 = tpu.memref_squeeze %dma_start3A_183 : memref<1x1x128xf32, #tpu.memory_space<vmem>> -> memref<1x128xf32, #tpu.memory_space<vmem>>
        %dma_start3A_185 = arith.constant 0 : i32
        %dma_start3A_186 = tpu.memref_slice %arg3[%shift_right_logical3A_179, %dma_start3A_185] : memref<500000x128xf32, #tpu.memory_space<any>> -> memref<1x128xf32, #tpu.memory_space<any>>
        tpu.enqueue_dma source(%dma_start3A_186 : memref<1x128xf32, #tpu.memory_space<any>>) target(%dma_start3A_184 : memref<1x128xf32, #tpu.memory_space<vmem>>) target_semaphore(%dma_start3A_181 : memref<!tpu.dma_semaphore, #tpu.memory_space<semaphore_mem>>)
        %scan3A_187 = arith.constant 5 : i32
        %scan3A_188 = arith.addi %scan3A_120, %scan3A_187 : i32
        %add3A_189 = arith.addi %mul3A_106, %scan3A_188 : i32
        %get3A_190 = arith.index_cast %add3A_189 : i32 to index
        %get3A_191 = memref.load %arg1[%get3A_190] : memref<16384xi32, #tpu.memory_space<smem>>
        %shift_right_logical3A_192 = arith.constant 1 : i32
        %shift_right_logical3A_193 = arith.shrui %get3A_191, %shift_right_logical3A_192 : i32
        %dma_start3A_194 = tpu.memref_slice %arg13[%rem3A_102] : memref<2x!tpu.dma_semaphore, #tpu.memory_space<semaphore_mem>> -> memref<1x!tpu.dma_semaphore, #tpu.memory_space<semaphore_mem>>
        %dma_start3A_195 = tpu.memref_squeeze %dma_start3A_194 : memref<1x!tpu.dma_semaphore, #tpu.memory_space<semaphore_mem>> -> memref<!tpu.dma_semaphore, #tpu.memory_space<semaphore_mem>>
        %dma_start3A_196 = arith.constant 0 : i32
        %dma_start3A_197 = tpu.memref_slice %arg11[%rem3A_102, %scan3A_188, %dma_start3A_196] : memref<2x512x128xf32, #tpu.memory_space<vmem>> -> memref<1x1x128xf32, #tpu.memory_space<vmem>>
        %dma_start3A_198 = tpu.memref_squeeze %dma_start3A_197 : memref<1x1x128xf32, #tpu.memory_space<vmem>> -> memref<1x128xf32, #tpu.memory_space<vmem>>
        %dma_start3A_199 = arith.constant 0 : i32
        %dma_start3A_200 = tpu.memref_slice %arg3[%shift_right_logical3A_193, %dma_start3A_199] : memref<500000x128xf32, #tpu.memory_space<any>> -> memref<1x128xf32, #tpu.memory_space<any>>
        tpu.enqueue_dma source(%dma_start3A_200 : memref<1x128xf32, #tpu.memory_space<any>>) target(%dma_start3A_198 : memref<1x128xf32, #tpu.memory_space<vmem>>) target_semaphore(%dma_start3A_195 : memref<!tpu.dma_semaphore, #tpu.memory_space<semaphore_mem>>)
        %scan3A_201 = arith.constant 6 : i32
        %scan3A_202 = arith.addi %scan3A_120, %scan3A_201 : i32
        %add3A_203 = arith.addi %mul3A_106, %scan3A_202 : i32
        %get3A_204 = arith.index_cast %add3A_203 : i32 to index
        %get3A_205 = memref.load %arg1[%get3A_204] : memref<16384xi32, #tpu.memory_space<smem>>
        %shift_right_logical3A_206 = arith.constant 1 : i32
        %shift_right_logical3A_207 = arith.shrui %get3A_205, %shift_right_logical3A_206 : i32
        %dma_start3A_208 = tpu.memref_slice %arg13[%rem3A_102] : memref<2x!tpu.dma_semaphore, #tpu.memory_space<semaphore_mem>> -> memref<1x!tpu.dma_semaphore, #tpu.memory_space<semaphore_mem>>
        %dma_start3A_209 = tpu.memref_squeeze %dma_start3A_208 : memref<1x!tpu.dma_semaphore, #tpu.memory_space<semaphore_mem>> -> memref<!tpu.dma_semaphore, #tpu.memory_space<semaphore_mem>>
        %dma_start3A_210 = arith.constant 0 : i32
        %dma_start3A_211 = tpu.memref_slice %arg11[%rem3A_102, %scan3A_202, %dma_start3A_210] : memref<2x512x128xf32, #tpu.memory_space<vmem>> -> memref<1x1x128xf32, #tpu.memory_space<vmem>>
        %dma_start3A_212 = tpu.memref_squeeze %dma_start3A_211 : memref<1x1x128xf32, #tpu.memory_space<vmem>> -> memref<1x128xf32, #tpu.memory_space<vmem>>
        %dma_start3A_213 = arith.constant 0 : i32
        %dma_start3A_214 = tpu.memref_slice %arg3[%shift_right_logical3A_207, %dma_start3A_213] : memref<500000x128xf32, #tpu.memory_space<any>> -> memref<1x128xf32, #tpu.memory_space<any>>
        tpu.enqueue_dma source(%dma_start3A_214 : memref<1x128xf32, #tpu.memory_space<any>>) target(%dma_start3A_212 : memref<1x128xf32, #tpu.memory_space<vmem>>) target_semaphore(%dma_start3A_209 : memref<!tpu.dma_semaphore, #tpu.memory_space<semaphore_mem>>)
        %scan3A_215 = arith.constant 7 : i32
        %scan3A_216 = arith.addi %scan3A_120, %scan3A_215 : i32
        %add3A_217 = arith.addi %mul3A_106, %scan3A_216 : i32
        %get3A_218 = arith.index_cast %add3A_217 : i32 to index
        %get3A_219 = memref.load %arg1[%get3A_218] : memref<16384xi32, #tpu.memory_space<smem>>
        %shift_right_logical3A_220 = arith.constant 1 : i32
        %shift_right_logical3A_221 = arith.shrui %get3A_219, %shift_right_logical3A_220 : i32
        %dma_start3A_222 = tpu.memref_slice %arg13[%rem3A_102] : memref<2x!tpu.dma_semaphore, #tpu.memory_space<semaphore_mem>> -> memref<1x!tpu.dma_semaphore, #tpu.memory_space<semaphore_mem>>
        %dma_start3A_223 = tpu.memref_squeeze %dma_start3A_222 : memref<1x!tpu.dma_semaphore, #tpu.memory_space<semaphore_mem>> -> memref<!tpu.dma_semaphore, #tpu.memory_space<semaphore_mem>>
        %dma_start3A_224 = arith.constant 0 : i32
        %dma_start3A_225 = tpu.memref_slice %arg11[%rem3A_102, %scan3A_216, %dma_start3A_224] : memref<2x512x128xf32, #tpu.memory_space<vmem>> -> memref<1x1x128xf32, #tpu.memory_space<vmem>>
        %dma_start3A_226 = tpu.memref_squeeze %dma_start3A_225 : memref<1x1x128xf32, #tpu.memory_space<vmem>> -> memref<1x128xf32, #tpu.memory_space<vmem>>
        %dma_start3A_227 = arith.constant 0 : i32
        %dma_start3A_228 = tpu.memref_slice %arg3[%shift_right_logical3A_221, %dma_start3A_227] : memref<500000x128xf32, #tpu.memory_space<any>> -> memref<1x128xf32, #tpu.memory_space<any>>
        tpu.enqueue_dma source(%dma_start3A_228 : memref<1x128xf32, #tpu.memory_space<any>>) target(%dma_start3A_226 : memref<1x128xf32, #tpu.memory_space<vmem>>) target_semaphore(%dma_start3A_223 : memref<!tpu.dma_semaphore, #tpu.memory_space<semaphore_mem>>)
      }
      %scan3A_110 = arith.constant 512 : i32
      %add3A_111 = arith.constant 1 : i32
      %add3A_112 = arith.addi %arg0, %add3A_111 : i32
      %mul3A_113 = arith.constant 512 : i32
      %mul3A_114 = arith.muli %add3A_112, %mul3A_113 : i32
      %scan3A_115 = arith.constant 0 : i32
      %scan3A_116 = arith.constant 512 : i32
      %scan3A_117 = arith.addi %scan3A_115, %scan3A_116 : i32
      %scan3A_118 = arith.constant 8 : i32
      scf.for %scan3A_120 = %scan3A_115 to %scan3A_117 step %scan3A_118  : i32 {
        %add3A_121 = arith.addi %mul3A_114, %scan3A_120 : i32
        %get3A_122 = arith.index_cast %add3A_121 : i32 to index
        %get3A_123 = memref.load %arg2[%get3A_122] : memref<16384xi32, #tpu.memory_space<smem>>
        %shift_right_logical3A = arith.constant 1 : i32
        %shift_right_logical3A_124 = arith.shrui %get3A_123, %shift_right_logical3A : i32
        %dma_start3A = tpu.memref_slice %arg14[%rem3A_102] : memref<2x!tpu.dma_semaphore, #tpu.memory_space<semaphore_mem>> -> memref<1x!tpu.dma_semaphore, #tpu.memory_space<semaphore_mem>>
        %dma_start3A_125 = tpu.memref_squeeze %dma_start3A : memref<1x!tpu.dma_semaphore, #tpu.memory_space<semaphore_mem>> -> memref<!tpu.dma_semaphore, #tpu.memory_space<semaphore_mem>>
        %dma_start3A_126 = arith.constant 0 : i32
        %dma_start3A_127 = tpu.memref_slice %arg12[%rem3A_102, %scan3A_120, %dma_start3A_126] : memref<2x512x128xf32, #tpu.memory_space<vmem>> -> memref<1x1x128xf32, #tpu.memory_space<vmem>>
        %dma_start3A_128 = tpu.memref_squeeze %dma_start3A_127 : memref<1x1x128xf32, #tpu.memory_space<vmem>> -> memref<1x128xf32, #tpu.memory_space<vmem>>
        %dma_start3A_129 = arith.constant 0 : i32
        %dma_start3A_130 = tpu.memref_slice %arg3[%shift_right_logical3A_124, %dma_start3A_129] : memref<500000x128xf32, #tpu.memory_space<any>> -> memref<1x128xf32, #tpu.memory_space<any>>
        tpu.enqueue_dma source(%dma_start3A_130 : memref<1x128xf32, #tpu.memory_space<any>>) target(%dma_start3A_128 : memref<1x128xf32, #tpu.memory_space<vmem>>) target_semaphore(%dma_start3A_125 : memref<!tpu.dma_semaphore, #tpu.memory_space<semaphore_mem>>)
        %scan3A_131 = arith.constant 1 : i32
        %scan3A_132 = arith.addi %scan3A_120, %scan3A_131 : i32
        %add3A_133 = arith.addi %mul3A_114, %scan3A_132 : i32
        %get3A_134 = arith.index_cast %add3A_133 : i32 to index
        %get3A_135 = memref.load %arg2[%get3A_134] : memref<16384xi32, #tpu.memory_space<smem>>
        %shift_right_logical3A_136 = arith.constant 1 : i32
        %shift_right_logical3A_137 = arith.shrui %get3A_135, %shift_right_logical3A_136 : i32
        %dma_start3A_138 = tpu.memref_slice %arg14[%rem3A_102] : memref<2x!tpu.dma_semaphore, #tpu.memory_space<semaphore_mem>> -> memref<1x!tpu.dma_semaphore, #tpu.memory_space<semaphore_mem>>
        %dma_start3A_139 = tpu.memref_squeeze %dma_start3A_138 : memref<1x!tpu.dma_semaphore, #tpu.memory_space<semaphore_mem>> -> memref<!tpu.dma_semaphore, #tpu.memory_space<semaphore_mem>>
        %dma_start3A_140 = arith.constant 0 : i32
        %dma_start3A_141 = tpu.memref_slice %arg12[%rem3A_102, %scan3A_132, %dma_start3A_140] : memref<2x512x128xf32, #tpu.memory_space<vmem>> -> memref<1x1x128xf32, #tpu.memory_space<vmem>>
        %dma_start3A_142 = tpu.memref_squeeze %dma_start3A_141 : memref<1x1x128xf32, #tpu.memory_space<vmem>> -> memref<1x128xf32, #tpu.memory_space<vmem>>
        %dma_start3A_143 = arith.constant 0 : i32
        %dma_start3A_144 = tpu.memref_slice %arg3[%shift_right_logical3A_137, %dma_start3A_143] : memref<500000x128xf32, #tpu.memory_space<any>> -> memref<1x128xf32, #tpu.memory_space<any>>
        tpu.enqueue_dma source(%dma_start3A_144 : memref<1x128xf32, #tpu.memory_space<any>>) target(%dma_start3A_142 : memref<1x128xf32, #tpu.memory_space<vmem>>) target_semaphore(%dma_start3A_139 : memref<!tpu.dma_semaphore, #tpu.memory_space<semaphore_mem>>)
        %scan3A_145 = arith.constant 2 : i32
        %scan3A_146 = arith.addi %scan3A_120, %scan3A_145 : i32
        %add3A_147 = arith.addi %mul3A_114, %scan3A_146 : i32
        %get3A_148 = arith.index_cast %add3A_147 : i32 to index
        %get3A_149 = memref.load %arg2[%get3A_148] : memref<16384xi32, #tpu.memory_space<smem>>
        %shift_right_logical3A_150 = arith.constant 1 : i32
        %shift_right_logical3A_151 = arith.shrui %get3A_149, %shift_right_logical3A_150 : i32
        %dma_start3A_152 = tpu.memref_slice %arg14[%rem3A_102] : memref<2x!tpu.dma_semaphore, #tpu.memory_space<semaphore_mem>> -> memref<1x!tpu.dma_semaphore, #tpu.memory_space<semaphore_mem>>
        %dma_start3A_153 = tpu.memref_squeeze %dma_start3A_152 : memref<1x!tpu.dma_semaphore, #tpu.memory_space<semaphore_mem>> -> memref<!tpu.dma_semaphore, #tpu.memory_space<semaphore_mem>>
        %dma_start3A_154 = arith.constant 0 : i32
        %dma_start3A_155 = tpu.memref_slice %arg12[%rem3A_102, %scan3A_146, %dma_start3A_154] : memref<2x512x128xf32, #tpu.memory_space<vmem>> -> memref<1x1x128xf32, #tpu.memory_space<vmem>>
        %dma_start3A_156 = tpu.memref_squeeze %dma_start3A_155 : memref<1x1x128xf32, #tpu.memory_space<vmem>> -> memref<1x128xf32, #tpu.memory_space<vmem>>
        %dma_start3A_157 = arith.constant 0 : i32
        %dma_start3A_158 = tpu.memref_slice %arg3[%shift_right_logical3A_151, %dma_start3A_157] : memref<500000x128xf32, #tpu.memory_space<any>> -> memref<1x128xf32, #tpu.memory_space<any>>
        tpu.enqueue_dma source(%dma_start3A_158 : memref<1x128xf32, #tpu.memory_space<any>>) target(%dma_start3A_156 : memref<1x128xf32, #tpu.memory_space<vmem>>) target_semaphore(%dma_start3A_153 : memref<!tpu.dma_semaphore, #tpu.memory_space<semaphore_mem>>)
        %scan3A_159 = arith.constant 3 : i32
        %scan3A_160 = arith.addi %scan3A_120, %scan3A_159 : i32
        %add3A_161 = arith.addi %mul3A_114, %scan3A_160 : i32
        %get3A_162 = arith.index_cast %add3A_161 : i32 to index
        %get3A_163 = memref.load %arg2[%get3A_162] : memref<16384xi32, #tpu.memory_space<smem>>
        %shift_right_logical3A_164 = arith.constant 1 : i32
        %shift_right_logical3A_165 = arith.shrui %get3A_163, %shift_right_logical3A_164 : i32
        %dma_start3A_166 = tpu.memref_slice %arg14[%rem3A_102] : memref<2x!tpu.dma_semaphore, #tpu.memory_space<semaphore_mem>> -> memref<1x!tpu.dma_semaphore, #tpu.memory_space<semaphore_mem>>
        %dma_start3A_167 = tpu.memref_squeeze %dma_start3A_166 : memref<1x!tpu.dma_semaphore, #tpu.memory_space<semaphore_mem>> -> memref<!tpu.dma_semaphore, #tpu.memory_space<semaphore_mem>>
        %dma_start3A_168 = arith.constant 0 : i32
        %dma_start3A_169 = tpu.memref_slice %arg12[%rem3A_102, %scan3A_160, %dma_start3A_168] : memref<2x512x128xf32, #tpu.memory_space<vmem>> -> memref<1x1x128xf32, #tpu.memory_space<vmem>>
        %dma_start3A_170 = tpu.memref_squeeze %dma_start3A_169 : memref<1x1x128xf32, #tpu.memory_space<vmem>> -> memref<1x128xf32, #tpu.memory_space<vmem>>
        %dma_start3A_171 = arith.constant 0 : i32
        %dma_start3A_172 = tpu.memref_slice %arg3[%shift_right_logical3A_165, %dma_start3A_171] : memref<500000x128xf32, #tpu.memory_space<any>> -> memref<1x128xf32, #tpu.memory_space<any>>
        tpu.enqueue_dma source(%dma_start3A_172 : memref<1x128xf32, #tpu.memory_space<any>>) target(%dma_start3A_170 : memref<1x128xf32, #tpu.memory_space<vmem>>) target_semaphore(%dma_start3A_167 : memref<!tpu.dma_semaphore, #tpu.memory_space<semaphore_mem>>)
        %scan3A_173 = arith.constant 4 : i32
        %scan3A_174 = arith.addi %scan3A_120, %scan3A_173 : i32
        %add3A_175 = arith.addi %mul3A_114, %scan3A_174 : i32
        %get3A_176 = arith.index_cast %add3A_175 : i32 to index
        %get3A_177 = memref.load %arg2[%get3A_176] : memref<16384xi32, #tpu.memory_space<smem>>
        %shift_right_logical3A_178 = arith.constant 1 : i32
        %shift_right_logical3A_179 = arith.shrui %get3A_177, %shift_right_logical3A_178 : i32
        %dma_start3A_180 = tpu.memref_slice %arg14[%rem3A_102] : memref<2x!tpu.dma_semaphore, #tpu.memory_space<semaphore_mem>> -> memref<1x!tpu.dma_semaphore, #tpu.memory_space<semaphore_mem>>
        %dma_start3A_181 = tpu.memref_squeeze %dma_start3A_180 : memref<1x!tpu.dma_semaphore, #tpu.memory_space<semaphore_mem>> -> memref<!tpu.dma_semaphore, #tpu.memory_space<semaphore_mem>>
        %dma_start3A_182 = arith.constant 0 : i32
        %dma_start3A_183 = tpu.memref_slice %arg12[%rem3A_102, %scan3A_174, %dma_start3A_182] : memref<2x512x128xf32, #tpu.memory_space<vmem>> -> memref<1x1x128xf32, #tpu.memory_space<vmem>>
        %dma_start3A_184 = tpu.memref_squeeze %dma_start3A_183 : memref<1x1x128xf32, #tpu.memory_space<vmem>> -> memref<1x128xf32, #tpu.memory_space<vmem>>
        %dma_start3A_185 = arith.constant 0 : i32
        %dma_start3A_186 = tpu.memref_slice %arg3[%shift_right_logical3A_179, %dma_start3A_185] : memref<500000x128xf32, #tpu.memory_space<any>> -> memref<1x128xf32, #tpu.memory_space<any>>
        tpu.enqueue_dma source(%dma_start3A_186 : memref<1x128xf32, #tpu.memory_space<any>>) target(%dma_start3A_184 : memref<1x128xf32, #tpu.memory_space<vmem>>) target_semaphore(%dma_start3A_181 : memref<!tpu.dma_semaphore, #tpu.memory_space<semaphore_mem>>)
        %scan3A_187 = arith.constant 5 : i32
        %scan3A_188 = arith.addi %scan3A_120, %scan3A_187 : i32
        %add3A_189 = arith.addi %mul3A_114, %scan3A_188 : i32
        %get3A_190 = arith.index_cast %add3A_189 : i32 to index
        %get3A_191 = memref.load %arg2[%get3A_190] : memref<16384xi32, #tpu.memory_space<smem>>
        %shift_right_logical3A_192 = arith.constant 1 : i32
        %shift_right_logical3A_193 = arith.shrui %get3A_191, %shift_right_logical3A_192 : i32
        %dma_start3A_194 = tpu.memref_slice %arg14[%rem3A_102] : memref<2x!tpu.dma_semaphore, #tpu.memory_space<semaphore_mem>> -> memref<1x!tpu.dma_semaphore, #tpu.memory_space<semaphore_mem>>
        %dma_start3A_195 = tpu.memref_squeeze %dma_start3A_194 : memref<1x!tpu.dma_semaphore, #tpu.memory_space<semaphore_mem>> -> memref<!tpu.dma_semaphore, #tpu.memory_space<semaphore_mem>>
        %dma_start3A_196 = arith.constant 0 : i32
        %dma_start3A_197 = tpu.memref_slice %arg12[%rem3A_102, %scan3A_188, %dma_start3A_196] : memref<2x512x128xf32, #tpu.memory_space<vmem>> -> memref<1x1x128xf32, #tpu.memory_space<vmem>>
        %dma_start3A_198 = tpu.memref_squeeze %dma_start3A_197 : memref<1x1x128xf32, #tpu.memory_space<vmem>> -> memref<1x128xf32, #tpu.memory_space<vmem>>
        %dma_start3A_199 = arith.constant 0 : i32
        %dma_start3A_200 = tpu.memref_slice %arg3[%shift_right_logical3A_193, %dma_start3A_199] : memref<500000x128xf32, #tpu.memory_space<any>> -> memref<1x128xf32, #tpu.memory_space<any>>
        tpu.enqueue_dma source(%dma_start3A_200 : memref<1x128xf32, #tpu.memory_space<any>>) target(%dma_start3A_198 : memref<1x128xf32, #tpu.memory_space<vmem>>) target_semaphore(%dma_start3A_195 : memref<!tpu.dma_semaphore, #tpu.memory_space<semaphore_mem>>)
        %scan3A_201 = arith.constant 6 : i32
        %scan3A_202 = arith.addi %scan3A_120, %scan3A_201 : i32
        %add3A_203 = arith.addi %mul3A_114, %scan3A_202 : i32
        %get3A_204 = arith.index_cast %add3A_203 : i32 to index
        %get3A_205 = memref.load %arg2[%get3A_204] : memref<16384xi32, #tpu.memory_space<smem>>
        %shift_right_logical3A_206 = arith.constant 1 : i32
        %shift_right_logical3A_207 = arith.shrui %get3A_205, %shift_right_logical3A_206 : i32
        %dma_start3A_208 = tpu.memref_slice %arg14[%rem3A_102] : memref<2x!tpu.dma_semaphore, #tpu.memory_space<semaphore_mem>> -> memref<1x!tpu.dma_semaphore, #tpu.memory_space<semaphore_mem>>
        %dma_start3A_209 = tpu.memref_squeeze %dma_start3A_208 : memref<1x!tpu.dma_semaphore, #tpu.memory_space<semaphore_mem>> -> memref<!tpu.dma_semaphore, #tpu.memory_space<semaphore_mem>>
        %dma_start3A_210 = arith.constant 0 : i32
        %dma_start3A_211 = tpu.memref_slice %arg12[%rem3A_102, %scan3A_202, %dma_start3A_210] : memref<2x512x128xf32, #tpu.memory_space<vmem>> -> memref<1x1x128xf32, #tpu.memory_space<vmem>>
        %dma_start3A_212 = tpu.memref_squeeze %dma_start3A_211 : memref<1x1x128xf32, #tpu.memory_space<vmem>> -> memref<1x128xf32, #tpu.memory_space<vmem>>
        %dma_start3A_213 = arith.constant 0 : i32
        %dma_start3A_214 = tpu.memref_slice %arg3[%shift_right_logical3A_207, %dma_start3A_213] : memref<500000x128xf32, #tpu.memory_space<any>> -> memref<1x128xf32, #tpu.memory_space<any>>
        tpu.enqueue_dma source(%dma_start3A_214 : memref<1x128xf32, #tpu.memory_space<any>>) target(%dma_start3A_212 : memref<1x128xf32, #tpu.memory_space<vmem>>) target_semaphore(%dma_start3A_209 : memref<!tpu.dma_semaphore, #tpu.memory_space<semaphore_mem>>)
        %scan3A_215 = arith.constant 7 : i32
        %scan3A_216 = arith.addi %scan3A_120, %scan3A_215 : i32
        %add3A_217 = arith.addi %mul3A_114, %scan3A_216 : i32
        %get3A_218 = arith.index_cast %add3A_217 : i32 to index
        %get3A_219 = memref.load %arg2[%get3A_218] : memref<16384xi32, #tpu.memory_space<smem>>
        %shift_right_logical3A_220 = arith.constant 1 : i32
        %shift_right_logical3A_221 = arith.shrui %get3A_219, %shift_right_logical3A_220 : i32
        %dma_start3A_222 = tpu.memref_slice %arg14[%rem3A_102] : memref<2x!tpu.dma_semaphore, #tpu.memory_space<semaphore_mem>> -> memref<1x!tpu.dma_semaphore, #tpu.memory_space<semaphore_mem>>
        %dma_start3A_223 = tpu.memref_squeeze %dma_start3A_222 : memref<1x!tpu.dma_semaphore, #tpu.memory_space<semaphore_mem>> -> memref<!tpu.dma_semaphore, #tpu.memory_space<semaphore_mem>>
        %dma_start3A_224 = arith.constant 0 : i32
        %dma_start3A_225 = tpu.memref_slice %arg12[%rem3A_102, %scan3A_216, %dma_start3A_224] : memref<2x512x128xf32, #tpu.memory_space<vmem>> -> memref<1x1x128xf32, #tpu.memory_space<vmem>>
        %dma_start3A_226 = tpu.memref_squeeze %dma_start3A_225 : memref<1x1x128xf32, #tpu.memory_space<vmem>> -> memref<1x128xf32, #tpu.memory_space<vmem>>
        %dma_start3A_227 = arith.constant 0 : i32
        %dma_start3A_228 = tpu.memref_slice %arg3[%shift_right_logical3A_221, %dma_start3A_227] : memref<500000x128xf32, #tpu.memory_space<any>> -> memref<1x128xf32, #tpu.memory_space<any>>
        tpu.enqueue_dma source(%dma_start3A_228 : memref<1x128xf32, #tpu.memory_space<any>>) target(%dma_start3A_226 : memref<1x128xf32, #tpu.memory_space<vmem>>) target_semaphore(%dma_start3A_223 : memref<!tpu.dma_semaphore, #tpu.memory_space<semaphore_mem>>)
      }
      %scan3A_119 = arith.constant 512 : i32
    } else {
    }
    %dma_wait3A = tpu.memref_slice %arg13[%rem3A_0] : memref<2x!tpu.dma_semaphore, #tpu.memory_space<semaphore_mem>> -> memref<1x!tpu.dma_semaphore, #tpu.memory_space<semaphore_mem>>
    %dma_wait3A_8 = tpu.memref_squeeze %dma_wait3A : memref<1x!tpu.dma_semaphore, #tpu.memory_space<semaphore_mem>> -> memref<!tpu.dma_semaphore, #tpu.memory_space<semaphore_mem>>
    %dma_wait3A_9 = arith.constant 0 : i32
    %dma_wait3A_10 = arith.constant 0 : i32
    %dma_wait3A_11 = tpu.memref_slice %arg11[%rem3A_0, %dma_wait3A_9, %dma_wait3A_10] : memref<2x512x128xf32, #tpu.memory_space<vmem>> -> memref<1x512x128xf32, #tpu.memory_space<vmem>>
    %dma_wait3A_12 = tpu.memref_squeeze %dma_wait3A_11 : memref<1x512x128xf32, #tpu.memory_space<vmem>> -> memref<512x128xf32, #tpu.memory_space<vmem>>
    %dma_wait3A_13 = arith.constant 0 : i32
    %dma_wait3A_14 = arith.constant 0 : i32
    %dma_wait3A_15 = tpu.memref_slice %arg11[%rem3A_0, %dma_wait3A_13, %dma_wait3A_14] : memref<2x512x128xf32, #tpu.memory_space<vmem>> -> memref<1x512x128xf32, #tpu.memory_space<vmem>>
    %dma_wait3A_16 = tpu.memref_squeeze %dma_wait3A_15 : memref<1x512x128xf32, #tpu.memory_space<vmem>> -> memref<512x128xf32, #tpu.memory_space<vmem>>
    tpu.wait_dma2 semaphore(%dma_wait3A_8 : memref<!tpu.dma_semaphore, #tpu.memory_space<semaphore_mem>>) src(%dma_wait3A_16 : memref<512x128xf32, #tpu.memory_space<vmem>>) dst(%dma_wait3A_12 : memref<512x128xf32, #tpu.memory_space<vmem>>)
    %dma_wait3A_17 = tpu.memref_slice %arg14[%rem3A_0] : memref<2x!tpu.dma_semaphore, #tpu.memory_space<semaphore_mem>> -> memref<1x!tpu.dma_semaphore, #tpu.memory_space<semaphore_mem>>
    %dma_wait3A_18 = tpu.memref_squeeze %dma_wait3A_17 : memref<1x!tpu.dma_semaphore, #tpu.memory_space<semaphore_mem>> -> memref<!tpu.dma_semaphore, #tpu.memory_space<semaphore_mem>>
    %dma_wait3A_19 = arith.constant 0 : i32
    %dma_wait3A_20 = arith.constant 0 : i32
    %dma_wait3A_21 = tpu.memref_slice %arg12[%rem3A_0, %dma_wait3A_19, %dma_wait3A_20] : memref<2x512x128xf32, #tpu.memory_space<vmem>> -> memref<1x512x128xf32, #tpu.memory_space<vmem>>
    %dma_wait3A_22 = tpu.memref_squeeze %dma_wait3A_21 : memref<1x512x128xf32, #tpu.memory_space<vmem>> -> memref<512x128xf32, #tpu.memory_space<vmem>>
    %dma_wait3A_23 = arith.constant 0 : i32
    %dma_wait3A_24 = arith.constant 0 : i32
    %dma_wait3A_25 = tpu.memref_slice %arg12[%rem3A_0, %dma_wait3A_23, %dma_wait3A_24] : memref<2x512x128xf32, #tpu.memory_space<vmem>> -> memref<1x512x128xf32, #tpu.memory_space<vmem>>
    %dma_wait3A_26 = tpu.memref_squeeze %dma_wait3A_25 : memref<1x512x128xf32, #tpu.memory_space<vmem>> -> memref<512x128xf32, #tpu.memory_space<vmem>>
    tpu.wait_dma2 semaphore(%dma_wait3A_18 : memref<!tpu.dma_semaphore, #tpu.memory_space<semaphore_mem>>) src(%dma_wait3A_26 : memref<512x128xf32, #tpu.memory_space<vmem>>) dst(%dma_wait3A_22 : memref<512x128xf32, #tpu.memory_space<vmem>>)
    %get3A = arith.index_cast %rem3A_0 : i32 to index
    %get3A_27 = arith.constant 0 : index
    %get3A_28 = arith.constant 0 : index
    %get3A_29 = vector.load %arg11[%get3A, %get3A_27, %get3A_28] : memref<2x512x128xf32, #tpu.memory_space<vmem>>, vector<1x512x128xf32>
    %get3A_30 = vector.shape_cast %get3A_29 : vector<1x512x128xf32> to vector<512x128xf32>
    %get3A_31 = arith.constant 0 : index
    %get3A_32 = arith.constant 0 : index
    %get3A_33 = arith.constant 0 : index
    %get3A_34 = vector.load %arg4[%get3A_31, %get3A_32, %get3A_33] : memref<1x512x1xi32, #tpu.memory_space<vmem>>, vector<1x512x1xi32>
    %get3A_35 = vector.shape_cast %get3A_34 : vector<1x512x1xi32> to vector<512x1xi32>
    %and3A = arith.constant 1 : i32
    %and3A_36 = vector.broadcast %and3A : i32 to vector<512x1xi32>
    %and3A_37 = arith.andi %get3A_35, %and3A_36 : vector<512x1xi32>
    %eq3A_38 = arith.constant 1 : i32
    %eq3A_39 = vector.broadcast %eq3A_38 : i32 to vector<512x1xi32>
    %eq3A_40 = arith.cmpi eq, %and3A_37, %eq3A_39 : vector<512x1xi32>
    %slice3A = vector.extract_strided_slice %get3A_30 {offsets = [0, 64], sizes = [512, 64], strides = [1, 1]} : vector<512x128xf32> to vector<512x64xf32>
    %slice3A_41 = vector.extract_strided_slice %get3A_30 {offsets = [0, 0], sizes = [512, 64], strides = [1, 1]} : vector<512x128xf32> to vector<512x64xf32>
    %broadcast_in_dim3A = vector.shape_cast %eq3A_40 : vector<512x1xi1> to vector<512x1xi1>
    %broadcast_in_dim3A_42 = vector.broadcast %broadcast_in_dim3A : vector<512x1xi1> to vector<512x64xi1>
    %select_n3A = arith.select %broadcast_in_dim3A_42, %slice3A, %slice3A_41 : vector<512x64xi1>, vector<512x64xf32>
    %convert_element_type3A_43 = arith.truncf %select_n3A : vector<512x64xf32> to vector<512x64xbf16>
    %get3A_44 = arith.index_cast %rem3A_0 : i32 to index
    %get3A_45 = arith.constant 0 : index
    %get3A_46 = arith.constant 0 : index
    %get3A_47 = vector.load %arg12[%get3A_44, %get3A_45, %get3A_46] : memref<2x512x128xf32, #tpu.memory_space<vmem>>, vector<1x512x128xf32>
    %get3A_48 = vector.shape_cast %get3A_47 : vector<1x512x128xf32> to vector<512x128xf32>
    %get3A_49 = arith.constant 0 : index
    %get3A_50 = arith.constant 0 : index
    %get3A_51 = arith.constant 0 : index
    %get3A_52 = vector.load %arg5[%get3A_49, %get3A_50, %get3A_51] : memref<1x512x1xi32, #tpu.memory_space<vmem>>, vector<1x512x1xi32>
    %get3A_53 = vector.shape_cast %get3A_52 : vector<1x512x1xi32> to vector<512x1xi32>
    %and3A_54 = arith.constant 1 : i32
    %and3A_55 = vector.broadcast %and3A_54 : i32 to vector<512x1xi32>
    %and3A_56 = arith.andi %get3A_53, %and3A_55 : vector<512x1xi32>
    %eq3A_57 = arith.constant 1 : i32
    %eq3A_58 = vector.broadcast %eq3A_57 : i32 to vector<512x1xi32>
    %eq3A_59 = arith.cmpi eq, %and3A_56, %eq3A_58 : vector<512x1xi32>
    %slice3A_60 = vector.extract_strided_slice %get3A_48 {offsets = [0, 64], sizes = [512, 64], strides = [1, 1]} : vector<512x128xf32> to vector<512x64xf32>
    %slice3A_61 = vector.extract_strided_slice %get3A_48 {offsets = [0, 0], sizes = [512, 64], strides = [1, 1]} : vector<512x128xf32> to vector<512x64xf32>
    %broadcast_in_dim3A_62 = vector.shape_cast %eq3A_59 : vector<512x1xi1> to vector<512x1xi1>
    %broadcast_in_dim3A_63 = vector.broadcast %broadcast_in_dim3A_62 : vector<512x1xi1> to vector<512x64xi1>
    %select_n3A_64 = arith.select %broadcast_in_dim3A_63, %slice3A_60, %slice3A_61 : vector<512x64xi1>, vector<512x64xf32>
    %convert_element_type3A_65 = arith.truncf %select_n3A_64 : vector<512x64xf32> to vector<512x64xbf16>
    %get3A_66 = arith.constant 0 : index
    %get3A_67 = arith.constant 0 : index
    %get3A_68 = vector.load %arg8[%get3A_66, %get3A_67] : memref<64x4096xbf16, #tpu.memory_space<vmem>>, vector<64x4096xbf16>
    %dot_general3A = arith.constant dense<0.000000e+00> : vector<512x4096xf32>
    %dot_general3A_69 = tpu.matmul %convert_element_type3A_43, %get3A_68, %dot_general3A {dimension_numbers = #tpu.dot_dimension_numbers<[1], [0], [0], [1], [0, 0, 1, 1], [], []>, transpose_lhs_hint = false} : vector<512x64xbf16>, vector<64x4096xbf16>, vector<512x4096xf32> -> vector<512x4096xf32>
    %get3A_70 = arith.constant 0 : index
    %get3A_71 = arith.constant 0 : index
    %get3A_72 = vector.load %arg9[%get3A_70, %get3A_71] : memref<64x4096xbf16, #tpu.memory_space<vmem>>, vector<64x4096xbf16>
    %dot_general3A_73 = arith.constant dense<0.000000e+00> : vector<512x4096xf32>
    %dot_general3A_74 = tpu.matmul %convert_element_type3A_65, %get3A_72, %dot_general3A_73 {dimension_numbers = #tpu.dot_dimension_numbers<[1], [0], [0], [1], [0, 0, 1, 1], [], []>, transpose_lhs_hint = false} : vector<512x64xbf16>, vector<64x4096xbf16>, vector<512x4096xf32> -> vector<512x4096xf32>
    %mul3A = arith.mulf %dot_general3A_69, %dot_general3A_74 : vector<512x4096xf32>
    %convert_element_type3A_75 = arith.truncf %mul3A : vector<512x4096xf32> to vector<512x4096xbf16>
    %get3A_76 = arith.constant 0 : index
    %get3A_77 = arith.constant 0 : index
    %get3A_78 = vector.load %arg7[%get3A_76, %get3A_77] : memref<4096x1024xbf16, #tpu.memory_space<vmem>>, vector<4096x1024xbf16>
    %dot_general3A_79 = arith.constant dense<0.000000e+00> : vector<512x1024xf32>
    %dot_general3A_80 = tpu.matmul %convert_element_type3A_75, %get3A_78, %dot_general3A_79 {dimension_numbers = #tpu.dot_dimension_numbers<[1], [0], [0], [1], [0, 0, 1, 1], [], []>, transpose_lhs_hint = false} : vector<512x4096xbf16>, vector<4096x1024xbf16>, vector<512x1024xf32> -> vector<512x1024xf32>
    %get3A_81 = arith.constant 0 : index
    %get3A_82 = arith.constant 0 : index
    %get3A_83 = arith.constant 0 : index
    %get3A_84 = vector.load %arg6[%get3A_81, %get3A_82, %get3A_83] : memref<1x512x1xi32, #tpu.memory_space<vmem>>, vector<1x512x1xi32>
    %get3A_85 = vector.shape_cast %get3A_84 : vector<1x512x1xi32> to vector<512x1xi32>
    %iota3A = tpu.iota {dimensions = array<i32: 1>} : vector<512x1024xi32>
    %eq3A_86 = vector.broadcast %get3A_85 : vector<512x1xi32> to vector<512x1024xi32>
    %eq3A_87 = arith.cmpi eq, %eq3A_86, %iota3A : vector<512x1024xi32>
    %jit3A = arith.constant 0.000000e+00 : f32
    %broadcast_in_dim3A_88 = vector.broadcast %jit3A : f32 to vector<512x1024xf32>
    %select_n3A_89 = arith.select %eq3A_87, %dot_general3A_80, %broadcast_in_dim3A_88 : vector<512x1024xi1>, vector<512x1024xf32>
    %reduce_sum3A = arith.constant dense<0.000000e+00> : vector<512xf32>
    %reduce_sum3A_90 = vector.multi_reduction <add>, %select_n3A_89, %reduce_sum3A [1] : vector<512x1024xf32> to vector<512xf32>
    %broadcast_in_dim3A_91 = vector.shape_cast %reduce_sum3A_90 : vector<512xf32> to vector<512x1xf32>
    %logistic3A = arith.negf %broadcast_in_dim3A_91 : vector<512x1xf32>
    %logistic3A_92 = math.exp %logistic3A : vector<512x1xf32>
    %logistic3A_93 = arith.constant 1.000000e+00 : f32
    %logistic3A_94 = vector.broadcast %logistic3A_93 : f32 to vector<512x1xf32>
    %logistic3A_95 = arith.addf %logistic3A_94, %logistic3A_92 : vector<512x1xf32>
    %logistic3A_96 = arith.divf %logistic3A_94, %logistic3A_95 : vector<512x1xf32>
    %swap3A = arith.constant 0 : index
    %swap3A_97 = arith.constant 0 : index
    %swap3A_98 = vector.load %arg10[%swap3A, %swap3A_97] : memref<512x1xf32, #tpu.memory_space<vmem>>, vector<512x1xf32>
    tpu.vector_store %arg10[%swap3A, %swap3A_97], %logistic3A_96 {strides = array<i32>} : memref<512x1xf32, #tpu.memory_space<vmem>>, vector<512x1xf32>,
    return
  }
  func.func @transform_1(%arg0: i32, %arg1: memref<16384xi32, #tpu.memory_space<smem>>, %arg2: memref<16384xi32, #tpu.memory_space<smem>>) -> (i32, i32, i32) {
    %c0_i32 = arith.constant 0 : i32
    %c0_i32_0 = arith.constant 0 : i32
    %c0_i32_1 = arith.constant 0 : i32
    return %arg0, %c0_i32, %c0_i32_0 : i32, i32, i32
  }
  func.func @transform_2(%arg0: i32, %arg1: memref<16384xi32, #tpu.memory_space<smem>>, %arg2: memref<16384xi32, #tpu.memory_space<smem>>) -> (i32, i32, i32) {
    %c0_i32 = arith.constant 0 : i32
    %c0_i32_0 = arith.constant 0 : i32
    %c0_i32_1 = arith.constant 0 : i32
    return %arg0, %c0_i32, %c0_i32_0 : i32, i32, i32
  }
  func.func @transform_3(%arg0: i32, %arg1: memref<16384xi32, #tpu.memory_space<smem>>, %arg2: memref<16384xi32, #tpu.memory_space<smem>>) -> (i32, i32, i32) {
    %c0_i32 = arith.constant 0 : i32
    %c0_i32_0 = arith.constant 0 : i32
    %c0_i32_1 = arith.constant 0 : i32
    return %arg0, %c0_i32, %c0_i32_0 : i32, i32, i32
  }
  func.func @transform_4(%arg0: i32, %arg1: memref<16384xi32, #tpu.memory_space<smem>>, %arg2: memref<16384xi32, #tpu.memory_space<smem>>) -> (i32, i32) {
    %c0_i32 = arith.constant 0 : i32
    %c0_i32_0 = arith.constant 0 : i32
    %c0_i32_1 = arith.constant 0 : i32
    return %c0_i32, %c0_i32_0 : i32, i32
  }
  func.func @transform_5(%arg0: i32, %arg1: memref<16384xi32, #tpu.memory_space<smem>>, %arg2: memref<16384xi32, #tpu.memory_space<smem>>) -> (i32, i32) {
    %c0_i32 = arith.constant 0 : i32
    %c0_i32_0 = arith.constant 0 : i32
    %c0_i32_1 = arith.constant 0 : i32
    return %c0_i32, %c0_i32_0 : i32, i32
  }
  func.func @transform_6(%arg0: i32, %arg1: memref<16384xi32, #tpu.memory_space<smem>>, %arg2: memref<16384xi32, #tpu.memory_space<smem>>) -> (i32, i32) {
    %c0_i32 = arith.constant 0 : i32
    %c0_i32_0 = arith.constant 0 : i32
    %c0_i32_1 = arith.constant 0 : i32
    return %c0_i32, %c0_i32_0 : i32, i32
  }
  func.func @transform_7(%arg0: i32, %arg1: memref<16384xi32, #tpu.memory_space<smem>>, %arg2: memref<16384xi32, #tpu.memory_space<smem>>) -> (i32, i32) {
    %c0_i32 = arith.constant 0 : i32
    %c0_i32_0 = arith.constant 0 : i32
    return %arg0, %c0_i32 : i32, i32
  }
}

</mosaic_0001>

<sc_bundles>
// kernel: sparse-core-data-format-call.1.cloned.1.call-start
scs
called_computation.1_lowered:
.L_overlay_start_0:
0x0: {  	s1 =	sld [smem:$0x3FD9]  }
0x1: {  	s2 =	sld [smem:$0x3FFE];
	_ =	sdelay $0x1  }
0x2: {  	s3 =	srdreg.scid  }
0x3: {  	s0 =	sand.u32 $0x1, s3  }
0x4: {  	s17 =	sshll.u32 s0, $0xA;
	s1 =	sadd.s32 s2, s1  }
0x5: {  	s1 =	sadd.s32 s1, s17  }
0x6: {  	[smem:$0x3FC3] =	sst s1  }
0x7: {  	_ = 	snop  }
0x8: {  	(tm) =	ssettm $0x1  }
0x9: {  	s18 =	sld [smem:$0x3FFB];
	_ =	sdelay $0x3  }
0xa: {  	_ =	strace s18  }
0xb: {  	s1 =	sld [smem:$0x3FFC];
	_ =	sdelay $0x3  }
0xc: {  	_ =	strace s1  }
0xd: {  	s1 =	sld [smem:$0x3FFD];
	_ =	sdelay $0x3  }
0xe: {  	_ =	strace s1  }
0xf: {  	_ =	strace $0x8FFFFFFF  }
0x10: {  	s19 =	sld [smem:$0x3FDB];
	_ =	sdelay $0x1  }
0x11: {  	s20 =	simm.s32 $_scs_section_size  }
0x12: {  	s4 =	simm.s32 $_size__tile_overlayer_lowered;
	s5 =	simm.s32 $_tile_overlayer_lowered  }
0x13: {  	s23 =	simm.s32 $0x1BFF;
	s22 =	sshll.u32 s5, $0x1;
	s1 =	sadd.s32 s20, s19  }
0x14: {  	s6 =	simm.s32 $0x0;
	s21 =	sshll.u32 s4, $0x1;
	s4 =	sadd.s32 s22, s1  }
0x15: {  	[timem:s6], [sflag:s23] =	dma.local [hbm:s4], s21  }
0x16: {  	_ =	swait.ge [sflag:s23], s21  }
0x17: {  	s2 =	ssub.s32 $0x0, s21;
	[sflag:s23] =	ssyncset.done $0x0  }
0x18: {  	[sflag:s23] =	ssyncadd.s32 s2;
	_ =	sdelay $0x1  }
0x19: {  	s24 =	simm.s32 $0x1B8B  }
0x1a: {  	_ =	swait.ge [sflag:s24], $0x1  }
0x1b: {  	[sflag:s24] =	ssyncset.done $0x0  }
0x1c: {  	s26 =	simm.s32 $0x1B8E;
	s25 =	sld [smem:$0x3FFE];
	[sflag:s24] =	ssyncadd.s32 $0xFFFFFFFF  }
0x1d: {  	s27 =	simm.s32 $execute0_lowered;
	[smem:$0x3FD2] =	sst s26  }
0x1e: {  	s4 =	sshll.u32 s27, $0x1;
	_ =	strace $0x80000046;
	[dreg:$0x1] =	wrdreg $0xFFFFFFFF  }
0x1f: {  	s28 =	simm.s32 $_size_execute0_lowered;
	s1 =	sadd.s32 s1, s4;
	[dreg:$0x0] =	wrdreg $0x0  }
0x20: {  	s4 =	sshll.u32 s28, $0x1;
	[dreg:$0x2] =	wrdreg s1  }
0x21: {  	[dreg:$0x3] =	wrdreg s4  }
0x22: {  	[dreg:$0x4] =	wrdreg $0xC0  }
0x23: {  	_ =	task [dreg:s6], $0x5FFFF  }
0x24: {  	[dreg:$0x1] =	wrdreg $0xFFFFFFFF  }
0x25: {  	[dreg:$0x0] =	wrdreg $0x60  }
0x26: {  	[dreg:$0x2] =	wrdreg s25  }
0x27: {  	[dreg:$0x3] =	wrdreg $0xA  }
0x28: {  	_ =	task.clear_ibuf [dreg:s6], $0x4FFFF;
	_ =	strace $0x90000046  }
0x29: {  	s29 =	simm.s32 $0xA;
	_ =	strace $0x80000048  }
0x2a: {  	_ =	swait.ge [sflag:s29], $0x1  }
0x2b: {  	[sflag:s29] =	ssyncadd.s32 $0xFFFFFFFF  }
0x2c: {  	_ =	strace $0x90000048  }
0x2d: {  	_ =	sfence  }
0x2e: {  	s30 =	sld [smem:$0x0];
	_ =	sdelay $0x2  }
0x2f: {  	s31 =	sshll.u32 s3, $0xD;
	s3 =	sshrl.u32 s3, $0x2  }
0x30: {  	s2 =	sand.u32 $0x4000, s31;
	s1 =	sadd.s32 s3, s30  }
0x31: {  	s0 =	sor.u32 s2, s0;
	s1 =	sshll.u32 s1, $0x11  }
0x32: {  	s0 =	sor.u32 s1, s0  }
0x33: {  	s0 =	sadd.s32 $0x8F2B, s0  }
0x34: {  	[sflag:s0] =	ssyncadd.remote.s32 $0x1  }
0x35: {  	_ =	sfence.sel $0xFFFF  }
0x36: {  	[dreg:$0x0] =	wrdreg $0xFFFFFFFF;
	(pc) =	sbr.abs _section_cstart, $3  }
0x37: {  	[dreg:$0x1] =	wrdreg $0xFFFFFFFF  }
0x38: {  	_ =	task.clear_ibuf [dreg:s6], $0x2FFFF;
	_ =	strace $0x9FFFFFFF  }
0x39: {  	(tm) =	ssettm $0x7FFFFFFF  }
tec
execute0_lowered:
.L_overlay_start_1:
0x0: {  	(tag) =	ssettag $0x1  }
0x1: {  	s0 =	srdreg.scid  }
0x2: {  	s5 =	rddreg [dreg:$0x0];
	s1 =	stileid.u32;
	s4 =	simm.s32 $0x1  }
0x3: {  	s6 =	simm.s32 $0x2;
	s15 =	simm.s32 $0x0;
	p0 =	por $0x0, $0x0  }
0x4: {  	s8 =	simm.s32 $0x80;
	s14 =	simm.s32 $0x0;
	s2 =	sshll.u32 s0, $0x4  }
0x5: {  	s9 =	simm.s32 $0x0;
	s10 =	simm.s32 $0x0;
	s2 =	sand.u32 $0x10, s2  }
.Ltmp0:
0x6: {  	s12 =	simm.s32 $0x0;
	s3 =	sor.u32 s1, s2;
	(pc) =	sbr.rel .LBB1_1-.Ltmp0, $4  }
0x7: {  	s0 =	rddreg [dreg:$0x1];
	_ =	strace $0x80000047;
	s3 =	sshll.u32 s3, $0x7  }
0x8: {  	s13 =	simm.s32 $0x0;
	[sflag:s4] =	ssyncpa.u1 $0x0;
	s7 =	ssub.s32 $0x7A100, s3  }
0x9: {  	s2 =	sadd.s32 $0xC00, s5;
	[sflag:s6] =	ssyncpa.u1 $0x0;
	s6 =	sshrl.u32 s7, $0xC  }
0xa: {  	s5 =	sadd.s32 $0x3D1800, s5;
	s11 =	smov.u32 s3;
	s7 =	sadd.s32 $0x2, s6  }
.LBB1_5:
0xb: {  	p1 =	slt.u32 s13, $0x2  }
0xc: {  	s17 =	smov.u32 s15;
	p2 =	sgt.s32 @!p1 s15, $0x7A0A0;
	s16 =	sshra.s32 @!p1 s15, $0x1F  }
0xd: {  	p3 =	sgt.s32 @!p1 s14, $0x40;
	s18 =	sshra.s32 @!p1 s14, $0x1F;
	p2 =	por !p2, p1  }
0xe: {  	s15 =	sand.u32 @!p1 s16, s15;
	p3 =	por !p3, p1;
	s16 =	smov.u32 s14  }
0xf: {  	s14 =	sand.u32 @!p1 s18, s14;
	s17 =	simm.s32 @p2 $0x7A0A0;
	s16 =	simm.s32 @p3 $0x40  }
0x10: {  	s15 =	ssub.s32 @!p1 s17, s15;
	s14 =	ssub.s32 @!p1 s16, s14  }
0x11: {  	s18 =	smov.u32 s12;
	s16 =	sadd.s32 @!p1 $0xFFF85F60, s15;
	s17 =	sadd.s32 @!p1 $0xFFFFFFC0, s14  }
0x12: {  	s15 =	ssub.s32 @!p1 $0x7A120, s15;
	p2 =	sgt.s32 @!p1 s16, $0x7F;
	p3 =	sgt.s32 @!p1 s17, $0x3F  }
0x13: {  	s14 =	ssub.s32 @!p1 $0x80, s14;
	p2 =	por !p2, p1;
	p3 =	por !p3, p1  }
0x14: {  	s16 =	sadd.s32 $0x1000, s11;
	s15 =	simm.s32 @!p2 $0x0;
	s14 =	simm.s32 @!p3 $0x0  }
0x15: {  	p2 =	sgt.s32 s16, $0x7A11F;
	s14 =	smul.u32 @!p1 s14, s15;
	s15 =	sadd.s32 $0x40, s12  }
0x16: {  	s18 =	smov.u32 @p2 s15  }
0x17: {  	s16 =	smov.u32 @p2 s3;
	p2 =	sgt.s32 s18, $0x3F  }
0x18: {  	s18 =	simm.s32 @p2 $0x0;
	p2 =	sne.s32 s13, s7  }
.Ltmp1:
0x19: {  	p0 =	por !p0, !p0;
	s17 =	simm.s32 @!p1 $0x2;
	(pc) =	sbr.rel @!p2 .LBB1_6-.Ltmp1, $4  }
0x1a: {  	s15 =	smov.u32 s9;
	s9 =	smov.u32 s11;
	s14 =	sand.u32 @!p1 $0x3FFFFFFF, s14  }
0x1b: {  	s11 =	smov.u32 s16;
	_ =	swait.ge @!p1 [sflag:s17], s14;
	s19 =	ssub.s32 @!p1 $0x0, s14  }
0x1c: {  	s14 =	smov.u32 s10;
	s13 =	sadd.s32 $0x1, s13;
	[sflag:s17] =	ssyncset.done @!p1 $0x0  }
0x1d: {  	s10 =	smov.u32 s12;
	s12 =	smov.u32 s18;
	[sflag:s17] =	ssyncadd.s32 @!p1 s19  }
.LBB1_1:
0x1e: {  	p1 =	sgt.u32 s13, s6  }
0x1f: {  	s16 =	sshrl.u32 @!p1 s12, $0x3  }
0x20: {  	s17 =	sshll.u32 @!p1 s11, $0x3;
	s16 =	smul.u32 @!p1 $0x3D0C00, s16  }
0x21: {  	s18 =	sshll.u32 @!p1 s12, $0x7;
	s17 =	sand.u32 @!p1 $0xFFFFFC00, s17  }
0x22: {  	s16 =	sadd.s32 @!p1 s16, s17;
	s17 =	sand.u32 @!p1 $0x380, s18  }
0x23: {  	s16 =	sor.u32 @!p1 s17, s16  }
0x24: {  	s17 =	sshrl.u32 @!p1 s16, $0x7  }
0x25: {  	s17 =	smulhi.u32 @!p1 $0x10C6249, s17;
	_ =	sdelay $0x1  }
0x26: {  	s17 =	sshrl.u32 @!p1 s17, $0x4  }
0x27: {  	s18 =	sand.u32 @!p1 $0x7F, s11;
	s19 =	smul.u32 @!p1 $0x7A180, s17  }
0x28: {  	s16 =	sor.u32 @!p1 s18, s16;
	s18 =	sxor.u32 @!p1 $0xFFFFFFFF, s13  }
0x29: {  	s18 =	sshll.u32 @!p1 s18, $0xD;
	s17 =	sand.u32 @!p1 $0x3F, s17;
	s16 =	ssub.s32 @!p1 s16, s19  }
0x2a: {  	s17 =	smul.u32 @!p1 $0xF430, s17;
	s19 =	sshrl.u32 @!p1 s16, $0x3;
	s16 =	sand.u32 @!p1 $0x7, s16  }
0x2b: {  	s18 =	sand.u32 @!p1 $0x2000, s18;
	s19 =	sadd.s32 @!p1 s2, s19;
	s16 =	sshll.u32 @!p1 s16, $0x12  }
0x2c: {  	s17 =	sadd.s32 @!p1 s17, s19;
	s16 =	sor.u32 @!p1 $0x400, s16;
	s19 =	simm.s32 @!p1 $0x3D0C00  }
0x2d: {  	[tilespmem:s18], [sflag:$0x1] =	stream.strided.gather @!p1 [hbm4b:s17+s16], $0x2000, s19, s16, $0x38;
	[tilespmem:$0x8100] =	vst v63  }
0x2e: {  	p1 =	seq.s32 s13, $0x0  }
0x2f: {  	p2 =	sge.u32 @!p1 s13, s7  }
0x30: {  	p1 =	por p1, p2  }
.Ltmp2:
0x31: {  	_ = 	snop;
	(pc) =	sbr.rel @p1 .LBB1_5-.Ltmp2, $1  }
0x32: {  	_ =	sdelay $0x3  }
0x33: {  	s16 =	simm.s32 $0x1  }
0x34: {  	_ =	swait.ge [sflag:s4], $0x2000;
	s16 =	simm.s32 @!p0 $0x0  }
0x35: {  	[sflag:s4] =	ssyncset.done $0x0;
	s17 =	sshll.u32 s16, $0xD  }
0x36: {  	[sflag:s4] =	ssyncadd.s32 $0xFFFFE000;
	s17 =	sor.u32 $0x40, s17  }
0x37: {  	s16 =	smul.u32 $0x8200, s16;
	v0 =	vld [tilespmem:s17+$0x30]  }
0x38: {  	v1 =	vld [tilespmem:s17+$0xFFFFFFD0]  }
0x39: {  	s16 =	sshrl.u32 s16, $0x2;
	v5 =	vld [tilespmem:s17+$0xFFFFFFE0]  }
0x3a: {  	v6 =	vld [tilespmem:s17+$0xFFFFFFF0];
	s19 =	sor.u32 $0x4000, s16  }
0x3b: {  	s31 =	sand.u32 $0x1, s13;
	v4 =	vld [tilespmem:s17+$0x0];
	s18 =	sadd.s32 $0x0, s19  }
0x3c: {  	v3 =	vld [tilespmem:s17+$0x10];
	s16 =	smul.u32 $0x8200, s31;
	[tilespmem:s18+$0x1C70 ss:$0x41] =	vst.msk $0xffff, v0  }
0x3d: {  	v2 =	vld [tilespmem:s17+$0x20];
	[tilespmem:s18+$0x410 ss:$0x41] =	vst.msk $0xffff, v1  }
0x3e: {  	s16 =	sshrl.u32 s16, $0x2;
	v1 =	vld [tilespmem:s17+$0xFFFFFFC0];
	[tilespmem:s18+$0x820 ss:$0x41] =	vst.msk $0xffff, v5;
	s17 =	sadd.s32 $0x80, s17  }
0x3f: {  	s20 =	simm.s32 $0x4;
	s21 =	simm.s32 $0x8;
	s16 =	sor.u32 $0x4000, s16;
	[tilespmem:s18+$0xC30 ss:$0x41] =	vst.msk $0xffff, v6;
	v0 =	vld [tilespmem:s17+$0x30]  }
.LBB1_3:
0x40: {  	p1 =	sne.s32 s21, $0xFC;
	v5 =	vld [tilespmem:s17+$0xFFFFFFD0];
	[tilespmem:s18+$0x1040 ss:$0x41] =	vst.msk $0xffff, v4  }
0x41: {  	v6 =	vld [tilespmem:s17+$0xFFFFFFE0];
	[tilespmem:s18+$0x1450 ss:$0x41] =	vst.msk $0xffff, v3  }
0x42: {  	s22 =	sshra.s32 s20, $0x2;
	s20 =	smov.u32 s21;
	v7 =	vld [tilespmem:s17+$0xFFFFFFF0];
	[tilespmem:s18+$0x1860 ss:$0x41] =	vst.msk $0xffff, v2  }
.Ltmp3:
0x43: {  	v4 =	vld [tilespmem:s17+$0x0];
	[tilespmem:s18+$0x0 ss:$0x41] =	vst.msk $0xffff, v1;
	s18 =	sadd.s32 s22, s19;
	(pc) =	sbr.rel @p1 .LBB1_3-.Ltmp3, $4  }
0x44: {  	v3 =	vld [tilespmem:s17+$0x10];
	[tilespmem:s18+$0x1C70 ss:$0x41] =	vst.msk $0xffff, v0  }
0x45: {  	[tilespmem:s18+$0x410 ss:$0x41] =	vst.msk $0xffff, v5;
	v2 =	vld [tilespmem:s17+$0x20]  }
0x46: {  	v1 =	vld [tilespmem:s17+$0xFFFFFFC0];
	[tilespmem:s18+$0x820 ss:$0x41] =	vst.msk $0xffff, v6;
	s17 =	sadd.s32 $0x80, s17  }
0x47: {  	s21 =	sadd.s32 $0x4, s21;
	v0 =	vld [tilespmem:s17+$0x30];
	[tilespmem:s18+$0xC30 ss:$0x41] =	vst.msk $0xffff, v7  }
0x48: {  	s21 =	sshll.u32 s9, $0x7;
	s22 =	sshll.u32 s10, $0x3;
	s20 =	sshra.s32 s20, $0x2  }
0x49: {  	p1 =	sgt.s32 s9, $0x7A0A0;
	s30 =	sshra.s32 s9, $0x1F;
	s25 =	sshra.s32 s10, $0x1F  }
0x4a: {  	v5 =	vld [tilespmem:s17+$0xFFFFFFD0];
	s28 =	sshrl.u32 s10, $0x3;
	s23 =	sand.u32 $0xFFFFFC00, s21;
	s22 =	sand.u32 $0xFFFFFC00, s22  }
0x4b: {  	[tilespmem:s18+$0x1040 ss:$0x41] =	vst.msk $0xffff, v4;
	v58 =	vld [tilespmem:s17+$0xFFFFFFE0];
	s21 =	sand.u32 $0x380, s21;
	s19 =	sadd.s32 s20, s19;
	s22 =	sadd.s32 s22, s23  }
0x4c: {  	v59 =	vld [tilespmem:s17+$0xFFFFFFF0];
	[tilespmem:s18+$0x1450 ss:$0x41] =	vst.msk $0xffff, v3;
	s29 =	sor.u32 s21, s22;
	s21 =	smov.u32 s9;
	s22 =	sand.u32 s30, s9  }
0x4d: {  	v60 =	vld [tilespmem:s17+$0x0];
	[tilespmem:s18+$0x1860 ss:$0x41] =	vst.msk $0xffff, v2;
	s30 =	sand.u32 $0x7, s10;
	s20 =	sshrl.u32 s29, $0x7;
	s21 =	simm.s32 @!p1 $0x7A0A0  }
0x4e: {  	v61 =	vld [tilespmem:s17+$0x10];
	[tilespmem:s18+$0x0 ss:$0x41] =	vst.msk $0xffff, v1;
	p1 =	sgt.s32 s10, $0x40;
	s24 =	ssub.s32 s21, s22;
	s21 =	smov.u32 s10  }
0x4f: {  	v62 =	vld [tilespmem:s17+$0x20];
	[tilespmem:s19+$0x1C70 ss:$0x41] =	vst.msk $0xffff, v0;
	s31 =	smulhi.u32 $0x218DEF5, s20;
	s22 =	sand.u32 s25, s10;
	s21 =	simm.s32 @!p1 $0x40  }
0x50: {  	v63 =	vld [tilespmem:s17+$0xFFFFFFC0];
	[tilespmem:s19+$0x410 ss:$0x41] =	vst.msk $0xffff, v5;
	s26 =	sadd.s32 $0xFFF85F60, s24;
	s17 =	ssub.s32 $0x7A120, s24;
	s21 =	ssub.s32 s21, s22  }
0x51: {  	[tilespmem:s19+$0x820 ss:$0x41] =	vst.msk $0xffff, v58;
	s23 =	sshrl.u32 s31, $0xC;
	p1 =	sgt.s32 s26, $0x7F;
	s27 =	sadd.s32 $0xFFFFFFC0, s21  }
0x52: {  	[tilespmem:s19+$0xC30 ss:$0x41] =	vst.msk $0xffff, v59;
	s23 =	smul.u32 $0x7A120, s23;
	s18 =	ssub.s32 $0x80, s21;
	p2 =	sgt.s32 s27, $0x3F  }
.Ltmp4:
0x53: {  	[tilespmem:s19+$0x1040 ss:$0x41] =	vst.msk $0xffff, v60;
	s17 =	simm.s32 @p1 $0x0;
	s18 =	simm.s32 @p2 $0x0;
	(pc) =	sbr.rel .LBB1_5-.Ltmp4, $4  }
0x54: {  	s29 =	sand.u32 $0xF, s28;
	[tilespmem:s19+$0x1450 ss:$0x41] =	vst.msk $0xffff, v61;
	s20 =	ssub.s32 s20, s23;
	s17 =	smul.u32 s18, s17  }
0x55: {  	[tilespmem:s19+$0x1860 ss:$0x41] =	vst.msk $0xffff, v62;
	s21 =	sshll.u32 s30, $0x12;
	s20 =	sshll.u32 s20, $0x4;
	s18 =	sadd.s32 s5, s29  }
0x56: {  	[tilespmem:s19+$0x0 ss:$0x41] =	vst.msk $0xffff, v63;
	s31 =	sor.u32 $0x40, s21;
	s18 =	sadd.s32 s20, s18;
	s17 =	sand.u32 $0x3FFFFFFF, s17  }
0x57: {  	[hbm4b:s18+s31] =	stream.strided.scatter [tilespmem:s16], [sflag:$0x2], s17, s8, s31, $0x18;
	[tilespmem:$0x8100] =	vst v63  }
.LBB1_6:
0x58: {  	_ =	sfence.sel $0x180000  }
0x59: {  	s2 =	simm.s32 $0x1;
	[bflag:$0x0] =	sbarrier.arrive $0xFFFF  }
0x5a: {  	s31 =	simm.s32 $0x2;
	[sflag:s2] =	ssyncpa.u1 $0x1  }
0x5b: {  	[sflag:s31] =	ssyncpa.u1 $0x1  }
0x5c: {  	p0 =	sne.s32 s1, $0x0;
	_ =	strace $0x90000047  }
0x5d: {  	s0 =	sadd.s32 @!p0 $0x100000, s0;
	[bflag:$0x2] =	sbarrier.arrive $0xFFFF  }
0x5e: {  	[sflag:s0] =	ssyncadd.tile.s32 @!p0 $0x1;
	_ =	shalt  }
.Lfunc_end1:
_tile_overlayer_lowered:
.L_overlay_start_2:
0x5f: {  	(tag) =	ssettag $0x2  }
0x60: {  	s0 =	rddreg [dreg:$0x0];
	s2 =	stileid.u32  }
0x61: {  	s1 =	rddreg [dreg:$0x1];
	p0 =	sne.s32 s2, $0x0  }
0x62: {  	s3 =	rddreg [dreg:$0x2];
	[bflag:$0x3] =	sbarrier.arrive $0xFFFF;
	s2 =	simm.s32 @!p0 $0x1C01  }
0x63: {  	[timem:s3], [sflag:s2] =	dma.local @!p0 [hbm:s0], s1  }
0x64: {  	s0 =	simm.s32 @!p0 $0x1  }
0x65: {  	_ =	swait.ge @!p0 [sflag:s0], s1  }
0x66: {  	s1 =	ssub.s32 @!p0 $0x0, s1;
	[sflag:s0] =	ssyncset.done @!p0 $0x0  }
0x67: {  	[sflag:s0] =	ssyncadd.s32 @!p0 s1  }
0x68: {  	[bflag:$0x3] =	sbarrier.arrive $0xFFFF  }
0x69: {  	_ =	shalt  }

// kernel: sparse-core-data-format-call.cloned.1.call-start
scs
called_computation_lowered:
.L_overlay_start_0:
0x0: {  	s2 =	sld [smem:$0x3FD9]  }
0x1: {  	s3 =	sld [smem:$0x3FFE];
	_ =	sdelay $0x1  }
0x2: {  	s1 =	srdreg.scid  }
0x3: {  	s0 =	sand.u32 $0x1, s1  }
0x4: {  	s18 =	sshll.u32 s0, $0xA;
	s2 =	sadd.s32 s3, s2  }
0x5: {  	s2 =	sadd.s32 s2, s18  }
0x6: {  	[smem:$0x3FC3] =	sst s2  }
0x7: {  	_ = 	snop  }
0x8: {  	(tm) =	ssettm $0x1  }
0x9: {  	s19 =	sld [smem:$0x3FFB];
	_ =	sdelay $0x3  }
0xa: {  	_ =	strace s19  }
0xb: {  	s2 =	sld [smem:$0x3FFC];
	_ =	sdelay $0x3  }
0xc: {  	_ =	strace s2  }
0xd: {  	s2 =	sld [smem:$0x3FFD];
	_ =	sdelay $0x3  }
0xe: {  	_ =	strace s2  }
0xf: {  	_ =	strace $0x8FFFFFFF  }
0x10: {  	s20 =	sld [smem:$0x3FDB];
	_ =	sdelay $0x1  }
0x11: {  	s21 =	simm.s32 $_scs_section_size  }
0x12: {  	s4 =	simm.s32 $_size__tile_overlayer_lowered;
	s5 =	simm.s32 $_tile_overlayer_lowered  }
0x13: {  	s6 =	simm.s32 $0x1BFF;
	s22 =	sshll.u32 s5, $0x1;
	s3 =	sadd.s32 s21, s20  }
0x14: {  	s23 =	simm.s32 $0x0;
	s4 =	sshll.u32 s4, $0x1;
	s5 =	sadd.s32 s22, s3  }
0x15: {  	[timem:s23], [sflag:s6] =	dma.local [hbm:s5], s4  }
0x16: {  	_ =	swait.ge [sflag:s6], s4  }
0x17: {  	s4 =	ssub.s32 $0x0, s4;
	[sflag:s6] =	ssyncset.done $0x0  }
0x18: {  	[sflag:s6] =	ssyncadd.s32 s4;
	_ =	sdelay $0x1  }
0x19: {  	s24 =	simm.s32 $0x1B8B  }
0x1a: {  	_ =	swait.ge [sflag:s24], $0x1  }
0x1b: {  	[sflag:s24] =	ssyncset.done $0x0  }
0x1c: {  	[sflag:s24] =	ssyncadd.s32 $0xFFFFFFFF  }
0x1d: {  	s4 =	sld [smem:$0x0]  }
0x1e: {  	s5 =	sand.u32 $0xFFFFFFFE, s1  }
0x1f: {  	p0 =	sne.s32 s1, s5  }
0x20: {  	s5 =	sshll.u32 @p0 s5, $0xE  }
0x21: {  	s5 =	sadd.s32 @p0 $0x11B8D, s5;
	s6 =	sshll.u32 @p0 s4, $0x11  }
0x22: {  	s5 =	sor.u32 @p0 s6, s5  }
0x23: {  	[sflag:s5] =	ssyncadd.remote.s32 @p0 $0x1;
	_ =	sdelay $0x1  }
0x24: {  	s5 =	simm.s32 @p0 $0x1B8D  }
0x25: {  	_ =	swait.eq @p0 [sflag:s5], $0x1  }
0x26: {  	[sflag:s5] =	ssyncadd.s32 @p0 $0xFFFFFFFF  }
0x27: {  	s6 =	sshll.u32 @!p0 s1, $0xE  }
0x28: {  	s6 =	sor.u32 @!p0 $0x4000, s6;
	s5 =	simm.s32 @!p0 $0x1B8D  }
0x29: {  	s4 =	sshll.u32 @!p0 s4, $0x11;
	s6 =	sadd.s32 @!p0 $0x11B8D, s6;
	_ =	swait.eq @!p0 [sflag:s5], $0x1  }
0x2a: {  	s4 =	sor.u32 @!p0 s4, s6;
	[sflag:s5] =	ssyncadd.s32 @!p0 $0xFFFFFFFF  }
0x2b: {  	s26 =	simm.s32 $0x1B8E;
	s25 =	sld [smem:$0x3FFE];
	[sflag:s4] =	ssyncadd.remote.s32 @!p0 $0x1  }
0x2c: {  	s27 =	simm.s32 $execute0_lowered;
	[smem:$0x3FD2] =	sst s26  }
0x2d: {  	s5 =	sshll.u32 s27, $0x1;
	_ =	strace $0x80000049;
	[dreg:$0x1] =	wrdreg $0xFFFFFFFF  }
0x2e: {  	s28 =	simm.s32 $_size_execute0_lowered;
	s3 =	sadd.s32 s3, s5;
	[dreg:$0x0] =	wrdreg $0x0  }
0x2f: {  	s5 =	sshll.u32 s28, $0x1;
	[dreg:$0x2] =	wrdreg s3  }
0x30: {  	[dreg:$0x3] =	wrdreg s5  }
0x31: {  	[dreg:$0x4] =	wrdreg $0xC0  }
0x32: {  	_ =	task [dreg:s23], $0x5FFFF  }
0x33: {  	[dreg:$0x1] =	wrdreg $0xFFFFFFFF  }
0x34: {  	[dreg:$0x0] =	wrdreg $0x60  }
0x35: {  	[dreg:$0x2] =	wrdreg s25  }
0x36: {  	[dreg:$0x3] =	wrdreg $0x9  }
0x37: {  	_ =	task.clear_ibuf [dreg:s23], $0x4FFFF;
	_ =	strace $0x90000049  }
0x38: {  	s29 =	simm.s32 $0x9;
	_ =	strace $0x8000004B  }
0x39: {  	_ =	swait.ge [sflag:s29], $0x1  }
0x3a: {  	[sflag:s29] =	ssyncadd.s32 $0xFFFFFFFF  }
0x3b: {  	_ =	strace $0x9000004B  }
0x3c: {  	_ =	sfence  }
0x3d: {  	s30 =	sld [smem:$0x0];
	_ =	sdelay $0x2  }
0x3e: {  	s31 =	sshll.u32 s1, $0xD;
	s1 =	sshrl.u32 s1, $0x2  }
0x3f: {  	s4 =	sand.u32 $0x4000, s31;
	s1 =	sadd.s32 s1, s30  }
0x40: {  	s0 =	sor.u32 s4, s0;
	s1 =	sshll.u32 s1, $0x11  }
0x41: {  	s0 =	sor.u32 s1, s0  }
0x42: {  	s0 =	sadd.s32 $0x8F2B, s0  }
0x43: {  	[sflag:s0] =	ssyncadd.remote.s32 $0x1  }
0x44: {  	_ =	sfence.sel $0xFFFF  }
0x45: {  	[dreg:$0x0] =	wrdreg $0xFFFFFFFF;
	(pc) =	sbr.abs _section_cstart, $3  }
0x46: {  	[dreg:$0x1] =	wrdreg $0xFFFFFFFF  }
0x47: {  	_ =	task.clear_ibuf [dreg:s23], $0x2FFFF;
	_ =	strace $0x9FFFFFFF  }
0x48: {  	(tm) =	ssettm $0x7FFFFFFF  }
0x49: {  	_ =	shalt  }
tec
execute0_lowered:
.L_overlay_start_1:
0x0: {  	(tag) =	ssettag $0x1  }
0x1: {  	s0 =	srdreg.scid  }
0x2: {  	s5 =	rddreg [dreg:$0x0];
	s1 =	stileid.u32;
	s4 =	simm.s32 $0x1  }
0x3: {  	s6 =	simm.s32 $0x2;
	s15 =	simm.s32 $0x0;
	p0 =	por $0x0, $0x0  }
0x4: {  	s8 =	simm.s32 $0x80;
	s14 =	simm.s32 $0x0;
	s2 =	sshll.u32 s0, $0x4  }
0x5: {  	s9 =	simm.s32 $0x0;
	s10 =	simm.s32 $0x0;
	s2 =	sand.u32 $0x10, s2  }
.Ltmp0:
0x6: {  	s12 =	simm.s32 $0x0;
	s3 =	sor.u32 s1, s2;
	(pc) =	sbr.rel .LBB1_1-.Ltmp0, $4  }
0x7: {  	s0 =	rddreg [dreg:$0x1];
	_ =	strace $0x8000004A;
	s3 =	sshll.u32 s3, $0x7  }
0x8: {  	s13 =	simm.s32 $0x0;
	[sflag:s4] =	ssyncpa.u1 $0x0;
	s7 =	ssub.s32 $0x7A100, s3  }
0x9: {  	s2 =	sadd.s32 $0xB72A00, s5;
	[sflag:s6] =	ssyncpa.u1 $0x0;
	s6 =	sshrl.u32 s7, $0xC  }
0xa: {  	s5 =	sadd.s32 $0xF43600, s5;
	s11 =	smov.u32 s3;
	s7 =	sadd.s32 $0x2, s6  }
.LBB1_5:
0xb: {  	p1 =	slt.u32 s13, $0x2  }
0xc: {  	s17 =	smov.u32 s15;
	p2 =	sgt.s32 @!p1 s15, $0x7A0A0;
	s16 =	sshra.s32 @!p1 s15, $0x1F  }
0xd: {  	p3 =	sgt.s32 @!p1 s14, $0x40;
	s18 =	sshra.s32 @!p1 s14, $0x1F;
	p2 =	por !p2, p1  }
0xe: {  	s15 =	sand.u32 @!p1 s16, s15;
	p3 =	por !p3, p1;
	s16 =	smov.u32 s14  }
0xf: {  	s14 =	sand.u32 @!p1 s18, s14;
	s17 =	simm.s32 @p2 $0x7A0A0;
	s16 =	simm.s32 @p3 $0x40  }
0x10: {  	s15 =	ssub.s32 @!p1 s17, s15;
	s14 =	ssub.s32 @!p1 s16, s14  }
0x11: {  	s18 =	smov.u32 s12;
	s16 =	sadd.s32 @!p1 $0xFFF85F60, s15;
	s17 =	sadd.s32 @!p1 $0xFFFFFFC0, s14  }
0x12: {  	s15 =	ssub.s32 @!p1 $0x7A120, s15;
	p2 =	sgt.s32 @!p1 s16, $0x7F;
	p3 =	sgt.s32 @!p1 s17, $0x3F  }
0x13: {  	s14 =	ssub.s32 @!p1 $0x80, s14;
	p2 =	por !p2, p1;
	p3 =	por !p3, p1  }
0x14: {  	s16 =	sadd.s32 $0x1000, s11;
	s15 =	simm.s32 @!p2 $0x0;
	s14 =	simm.s32 @!p3 $0x0  }
0x15: {  	p2 =	sgt.s32 s16, $0x7A11F;
	s14 =	smul.u32 @!p1 s14, s15;
	s15 =	sadd.s32 $0x40, s12  }
0x16: {  	s18 =	smov.u32 @p2 s15  }
0x17: {  	s16 =	smov.u32 @p2 s3;
	p2 =	sgt.s32 s18, $0x3F  }
0x18: {  	s18 =	simm.s32 @p2 $0x0;
	p2 =	sne.s32 s13, s7  }
.Ltmp1:
0x19: {  	p0 =	por !p0, !p0;
	s17 =	simm.s32 @!p1 $0x2;
	(pc) =	sbr.rel @!p2 .LBB1_6-.Ltmp1, $4  }
0x1a: {  	s15 =	smov.u32 s9;
	s9 =	smov.u32 s11;
	s14 =	sand.u32 @!p1 $0x3FFFFFFF, s14  }
0x1b: {  	s11 =	smov.u32 s16;
	_ =	swait.ge @!p1 [sflag:s17], s14;
	s19 =	ssub.s32 @!p1 $0x0, s14  }
0x1c: {  	s14 =	smov.u32 s10;
	s13 =	sadd.s32 $0x1, s13;
	[sflag:s17] =	ssyncset.done @!p1 $0x0  }
0x1d: {  	s10 =	smov.u32 s12;
	s12 =	smov.u32 s18;
	[sflag:s17] =	ssyncadd.s32 @!p1 s19  }
.LBB1_1:
0x1e: {  	p1 =	sgt.u32 s13, s6  }
0x1f: {  	s16 =	sshrl.u32 @!p1 s12, $0x3  }
0x20: {  	s17 =	sshll.u32 @!p1 s11, $0x3;
	s16 =	smul.u32 @!p1 $0x3D0C00, s16  }
0x21: {  	s18 =	sshll.u32 @!p1 s12, $0x7;
	s17 =	sand.u32 @!p1 $0xFFFFFC00, s17  }
0x22: {  	s16 =	sadd.s32 @!p1 s16, s17;
	s17 =	sand.u32 @!p1 $0x380, s18  }
0x23: {  	s16 =	sor.u32 @!p1 s17, s16  }
0x24: {  	s17 =	sshrl.u32 @!p1 s16, $0x7  }
0x25: {  	s17 =	smulhi.u32 @!p1 $0x10C6249, s17;
	_ =	sdelay $0x1  }
0x26: {  	s17 =	sshrl.u32 @!p1 s17, $0x4  }
0x27: {  	s18 =	sand.u32 @!p1 $0x7F, s11;
	s19 =	smul.u32 @!p1 $0x7A180, s17  }
0x28: {  	s16 =	sor.u32 @!p1 s18, s16;
	s18 =	sxor.u32 @!p1 $0xFFFFFFFF, s13  }
0x29: {  	s18 =	sshll.u32 @!p1 s18, $0xD;
	s17 =	sand.u32 @!p1 $0x3F, s17;
	s16 =	ssub.s32 @!p1 s16, s19  }
0x2a: {  	s17 =	smul.u32 @!p1 $0xF430, s17;
	s19 =	sshrl.u32 @!p1 s16, $0x3;
	s16 =	sand.u32 @!p1 $0x7, s16  }
0x2b: {  	s18 =	sand.u32 @!p1 $0x2000, s18;
	s19 =	sadd.s32 @!p1 s2, s19;
	s16 =	sshll.u32 @!p1 s16, $0x12  }
0x2c: {  	s17 =	sadd.s32 @!p1 s17, s19;
	s16 =	sor.u32 @!p1 $0x400, s16;
	s19 =	simm.s32 @!p1 $0x3D0C00  }
0x2d: {  	[tilespmem:s18], [sflag:$0x1] =	stream.strided.gather @!p1 [hbm4b:s17+s16], $0x2000, s19, s16, $0x38;
	[tilespmem:$0x8100] =	vst v63  }
0x2e: {  	p1 =	seq.s32 s13, $0x0  }
0x2f: {  	p2 =	sge.u32 @!p1 s13, s7  }
0x30: {  	p1 =	por p1, p2  }
.Ltmp2:
0x31: {  	_ = 	snop;
	(pc) =	sbr.rel @p1 .LBB1_5-.Ltmp2, $1  }
0x32: {  	_ =	sdelay $0x3  }
0x33: {  	s16 =	simm.s32 $0x1  }
0x34: {  	_ =	swait.ge [sflag:s4], $0x2000;
	s16 =	simm.s32 @!p0 $0x0  }
0x35: {  	[sflag:s4] =	ssyncset.done $0x0;
	s17 =	sshll.u32 s16, $0xD  }
0x36: {  	[sflag:s4] =	ssyncadd.s32 $0xFFFFE000;
	s17 =	sor.u32 $0x40, s17  }
0x37: {  	s16 =	smul.u32 $0x8200, s16;
	v0 =	vld [tilespmem:s17+$0x30]  }
0x38: {  	v1 =	vld [tilespmem:s17+$0xFFFFFFD0]  }
0x39: {  	s16 =	sshrl.u32 s16, $0x2;
	v5 =	vld [tilespmem:s17+$0xFFFFFFE0]  }
0x3a: {  	v6 =	vld [tilespmem:s17+$0xFFFFFFF0];
	s19 =	sor.u32 $0x4000, s16  }
0x3b: {  	s31 =	sand.u32 $0x1, s13;
	v4 =	vld [tilespmem:s17+$0x0];
	s18 =	sadd.s32 $0x0, s19  }
0x3c: {  	v3 =	vld [tilespmem:s17+$0x10];
	s16 =	smul.u32 $0x8200, s31;
	[tilespmem:s18+$0x1C70 ss:$0x41] =	vst.msk $0xffff, v0  }
0x3d: {  	v2 =	vld [tilespmem:s17+$0x20];
	[tilespmem:s18+$0x410 ss:$0x41] =	vst.msk $0xffff, v1  }
0x3e: {  	s16 =	sshrl.u32 s16, $0x2;
	v1 =	vld [tilespmem:s17+$0xFFFFFFC0];
	[tilespmem:s18+$0x820 ss:$0x41] =	vst.msk $0xffff, v5;
	s17 =	sadd.s32 $0x80, s17  }
0x3f: {  	s20 =	simm.s32 $0x4;
	s21 =	simm.s32 $0x8;
	s16 =	sor.u32 $0x4000, s16;
	[tilespmem:s18+$0xC30 ss:$0x41] =	vst.msk $0xffff, v6;
	v0 =	vld [tilespmem:s17+$0x30]  }
.LBB1_3:
0x40: {  	p1 =	sne.s32 s21, $0xFC;
	v5 =	vld [tilespmem:s17+$0xFFFFFFD0];
	[tilespmem:s18+$0x1040 ss:$0x41] =	vst.msk $0xffff, v4  }
0x41: {  	v6 =	vld [tilespmem:s17+$0xFFFFFFE0];
	[tilespmem:s18+$0x1450 ss:$0x41] =	vst.msk $0xffff, v3  }
0x42: {  	s22 =	sshra.s32 s20, $0x2;
	s20 =	smov.u32 s21;
	v7 =	vld [tilespmem:s17+$0xFFFFFFF0];
	[tilespmem:s18+$0x1860 ss:$0x41] =	vst.msk $0xffff, v2  }
.Ltmp3:
0x43: {  	v4 =	vld [tilespmem:s17+$0x0];
	[tilespmem:s18+$0x0 ss:$0x41] =	vst.msk $0xffff, v1;
	s18 =	sadd.s32 s22, s19;
	(pc) =	sbr.rel @p1 .LBB1_3-.Ltmp3, $4  }
0x44: {  	v3 =	vld [tilespmem:s17+$0x10];
	[tilespmem:s18+$0x1C70 ss:$0x41] =	vst.msk $0xffff, v0  }
0x45: {  	[tilespmem:s18+$0x410 ss:$0x41] =	vst.msk $0xffff, v5;
	v2 =	vld [tilespmem:s17+$0x20]  }
0x46: {  	v1 =	vld [tilespmem:s17+$0xFFFFFFC0];
	[tilespmem:s18+$0x820 ss:$0x41] =	vst.msk $0xffff, v6;
	s17 =	sadd.s32 $0x80, s17  }
0x47: {  	s21 =	sadd.s32 $0x4, s21;
	v0 =	vld [tilespmem:s17+$0x30];
	[tilespmem:s18+$0xC30 ss:$0x41] =	vst.msk $0xffff, v7  }
0x48: {  	s21 =	sshll.u32 s9, $0x7;
	s22 =	sshll.u32 s10, $0x3;
	s20 =	sshra.s32 s20, $0x2  }
0x49: {  	p1 =	sgt.s32 s9, $0x7A0A0;
	s30 =	sshra.s32 s9, $0x1F;
	s25 =	sshra.s32 s10, $0x1F  }
0x4a: {  	v5 =	vld [tilespmem:s17+$0xFFFFFFD0];
	s28 =	sshrl.u32 s10, $0x3;
	s23 =	sand.u32 $0xFFFFFC00, s21;
	s22 =	sand.u32 $0xFFFFFC00, s22  }
0x4b: {  	[tilespmem:s18+$0x1040 ss:$0x41] =	vst.msk $0xffff, v4;
	v58 =	vld [tilespmem:s17+$0xFFFFFFE0];
	s21 =	sand.u32 $0x380, s21;
	s19 =	sadd.s32 s20, s19;
	s22 =	sadd.s32 s22, s23  }
0x4c: {  	v59 =	vld [tilespmem:s17+$0xFFFFFFF0];
	[tilespmem:s18+$0x1450 ss:$0x41] =	vst.msk $0xffff, v3;
	s29 =	sor.u32 s21, s22;
	s21 =	smov.u32 s9;
	s22 =	sand.u32 s30, s9  }
0x4d: {  	v60 =	vld [tilespmem:s17+$0x0];
	[tilespmem:s18+$0x1860 ss:$0x41] =	vst.msk $0xffff, v2;
	s30 =	sand.u32 $0x7, s10;
	s20 =	sshrl.u32 s29, $0x7;
	s21 =	simm.s32 @!p1 $0x7A0A0  }
0x4e: {  	v61 =	vld [tilespmem:s17+$0x10];
	[tilespmem:s18+$0x0 ss:$0x41] =	vst.msk $0xffff, v1;
	p1 =	sgt.s32 s10, $0x40;
	s24 =	ssub.s32 s21, s22;
	s21 =	smov.u32 s10  }
0x4f: {  	v62 =	vld [tilespmem:s17+$0x20];
	[tilespmem:s19+$0x1C70 ss:$0x41] =	vst.msk $0xffff, v0;
	s31 =	smulhi.u32 $0x218DEF5, s20;
	s22 =	sand.u32 s25, s10;
	s21 =	simm.s32 @!p1 $0x40  }
0x50: {  	v63 =	vld [tilespmem:s17+$0xFFFFFFC0];
	[tilespmem:s19+$0x410 ss:$0x41] =	vst.msk $0xffff, v5;
	s26 =	sadd.s32 $0xFFF85F60, s24;
	s17 =	ssub.s32 $0x7A120, s24;
	s21 =	ssub.s32 s21, s22  }
0x51: {  	[tilespmem:s19+$0x820 ss:$0x41] =	vst.msk $0xffff, v58;
	s23 =	sshrl.u32 s31, $0xC;
	p1 =	sgt.s32 s26, $0x7F;
	s27 =	sadd.s32 $0xFFFFFFC0, s21  }
0x52: {  	[tilespmem:s19+$0xC30 ss:$0x41] =	vst.msk $0xffff, v59;
	s23 =	smul.u32 $0x7A120, s23;
	s18 =	ssub.s32 $0x80, s21;
	p2 =	sgt.s32 s27, $0x3F  }
.Ltmp4:
0x53: {  	[tilespmem:s19+$0x1040 ss:$0x41] =	vst.msk $0xffff, v60;
	s17 =	simm.s32 @p1 $0x0;
	s18 =	simm.s32 @p2 $0x0;
	(pc) =	sbr.rel .LBB1_5-.Ltmp4, $4  }
0x54: {  	s29 =	sand.u32 $0xF, s28;
	[tilespmem:s19+$0x1450 ss:$0x41] =	vst.msk $0xffff, v61;
	s20 =	ssub.s32 s20, s23;
	s17 =	smul.u32 s18, s17  }
0x55: {  	[tilespmem:s19+$0x1860 ss:$0x41] =	vst.msk $0xffff, v62;
	s21 =	sshll.u32 s30, $0x12;
	s20 =	sshll.u32 s20, $0x4;
	s18 =	sadd.s32 s5, s29  }
0x56: {  	[tilespmem:s19+$0x0 ss:$0x41] =	vst.msk $0xffff, v63;
	s31 =	sor.u32 $0x40, s21;
	s18 =	sadd.s32 s20, s18;
	s17 =	sand.u32 $0x3FFFFFFF, s17  }
0x57: {  	[hbm4b:s18+s31] =	stream.strided.scatter [tilespmem:s16], [sflag:$0x2], s17, s8, s31, $0x18;
	[tilespmem:$0x8100] =	vst v63  }
.LBB1_6:
0x58: {  	_ =	sfence.sel $0x180000  }
0x59: {  	s2 =	simm.s32 $0x1;
	[bflag:$0x0] =	sbarrier.arrive $0xFFFF  }
0x5a: {  	s31 =	simm.s32 $0x2;
	[sflag:s2] =	ssyncpa.u1 $0x1  }
0x5b: {  	[sflag:s31] =	ssyncpa.u1 $0x1  }
0x5c: {  	p0 =	sne.s32 s1, $0x0;
	_ =	strace $0x9000004A  }
0x5d: {  	s0 =	sadd.s32 @!p0 $0x100000, s0;
	[bflag:$0x2] =	sbarrier.arrive $0xFFFF  }
0x5e: {  	[sflag:s0] =	ssyncadd.tile.s32 @!p0 $0x1;
	_ =	shalt  }
.Lfunc_end1:
_tile_overlayer_lowered:
.L_overlay_start_2:
0x5f: {  	(tag) =	ssettag $0x2  }
0x60: {  	s0 =	rddreg [dreg:$0x0];
	s2 =	stileid.u32  }
0x61: {  	s1 =	rddreg [dreg:$0x1];
	p0 =	sne.s32 s2, $0x0  }
0x62: {  	s3 =	rddreg [dreg:$0x2];
	[bflag:$0x3] =	sbarrier.arrive $0xFFFF;
	s2 =	simm.s32 @!p0 $0x1C01  }
0x63: {  	[timem:s3], [sflag:s2] =	dma.local @!p0 [hbm:s0], s1  }
0x64: {  	s0 =	simm.s32 @!p0 $0x1  }
0x65: {  	_ =	swait.ge @!p0 [sflag:s0], s1  }
0x66: {  	s1 =	ssub.s32 @!p0 $0x0, s1;
	[sflag:s0] =	ssyncset.done @!p0 $0x0  }
0x67: {  	[sflag:s0] =	ssyncadd.s32 @!p0 s1  }
0x68: {  	[bflag:$0x3] =	sbarrier.arrive $0xFFFF  }
0x69: {  	_ =	shalt  }

</sc_bundles>
